<compile_context>
chip_gen: v7x
topology: tpu7x:2x2x1
jax: 0.10.2.dev20260603
libtpu: 0.0.44.dev20260713+nightly
codegen_flags: <defaults>
</compile_context>

<pallas_src>
import functools

import jax
import jax.numpy as jnp
from jax import lax
from jax.experimental import pallas as pl
from jax.experimental.pallas import tpu as pltpu
from jax.experimental.pallas import tpu_sc as plsc

IDIM = 128
NB_SAMPLES = 32
NG = IDIM + 1
NIJ = NG * NG
QROWS = 3
ROWF = 128
KPAD = 63 * (QROWS - 1) + ROWF // 2

NC = 2
NS = 16
NW = NC * NS
LANES = 16
CHUNK = 128
GPER = CHUNK * 4 // 128


_TBL_B1 = 3


def _tbl_body(g_ref, o_ref, out_ref):
    b = pl.program_id(0)
    g = g_ref[...]
    o = o_ref[...]
    ms = lax.broadcasted_iota(jnp.int32, (NG * 9, NG), 0)
    ks = lax.broadcasted_iota(jnp.int32, (NG * 9, NG), 1)
    ssum = (ms // 9 == ks).astype(jnp.float32)
    h = jnp.stack([jnp.dot(g[bs], ssum, preferred_element_type=jnp.float32)
                   for bs in range(_TBL_B1)])
    m = lax.broadcasted_iota(jnp.int32, (KPAD, QROWS * ROWF), 0)
    n = lax.broadcasted_iota(jnp.int32, (KPAD, QROWS * ROWF), 1)
    e = n % ROWF
    q = n // ROWF
    kk = 63 * q + e // 2
    selh = ((e % 2 == 0) & (m == kk)).astype(jnp.float32)
    selo = ((e % 2 == 1) & (m == kk)).astype(jnp.float32)
    z = jnp.zeros((NG, KPAD - NG), jnp.float32)
    for bs in range(_TBL_B1):
        hp = jnp.concatenate([h[bs], z], axis=-1)
        op = jnp.concatenate([o[bs], z], axis=-1)
        mm = (jnp.dot(hp, selh, preferred_element_type=jnp.float32)
              + jnp.dot(op, selo, preferred_element_type=jnp.float32))
        for qq in range(QROWS):
            out_ref[pl.ds((qq * NG + b * _TBL_B1 + bs) * NG, NG), :] = (
                mm[:, qq * ROWF:(qq + 1) * ROWF])


def _build_table(grid, opacity):
    return pl.pallas_call(
        _tbl_body,
        grid=(NG // _TBL_B1,),
        in_specs=[
            pl.BlockSpec((_TBL_B1, NG, NG * 9), lambda b: (b, 0, 0)),
            pl.BlockSpec((_TBL_B1, NG, NG), lambda b: (b, 0, 0)),
        ],
        out_specs=pl.BlockSpec((NIJ * QROWS, ROWF), lambda b: (0, 0)),
        out_shape=jax.ShapeDtypeStruct((NIJ * QROWS, ROWF), jnp.float32),
    )(grid.reshape(NG, NG, NG * 9), opacity)


def _sc_body(tbl, idx2, fpack, opack,
             idx_v, f_v, rows_v, o_v, sem_i, sem_f, sem_g):
    wid = lax.axis_index("s") * NC + lax.axis_index("c")
    npw = (opack.shape[0] // 2) // NW
    nch = npw // CHUNK

    def chunk_body(g, _):
        cg = wid * nch + g
        a_i = pltpu.async_copy(idx2.at[pl.ds(cg * CHUNK * 4, CHUNK * 4)],
                               idx_v, sem_i)
        a_f = pltpu.async_copy(fpack.at[pl.ds(cg * 768, 768)], f_v, sem_f)
        a_i.wait()
        copies = [
            pltpu.async_copy(tbl.at[idx_v.at[pl.ds(r * 128, 128)]],
                             rows_v.at[pl.ds(r * 128, 128)], sem_g)
            for r in range(GPER)
        ]
        a_f.wait()
        for c in copies:
            c.wait()

        def sub_body(t, _):
            sl = pl.ds(t * LANES, LANES)
            pv = f_v[pl.ds(5 * CHUNK + t * LANES, LANES)].astype(jnp.int32)
            fz = f_v[pl.ds(4 * CHUNK + t * LANES, LANES)]
            lanes = lax.broadcasted_iota(jnp.int32, (LANES,), 0)
            rbase = t * LANES + lanes
            zz = lanes * 0
            ev = pv + pv
            acc_h = jnp.zeros((LANES,), jnp.float32)
            acc_o = jnp.zeros((LANES,), jnp.float32)
            for c in range(4):
                rvec = c * CHUNK + rbase
                h0 = plsc.load_gather(rows_v, [rvec, zz, ev])
                h1 = plsc.load_gather(rows_v, [rvec, zz, ev + 2])
                o0 = plsc.load_gather(rows_v, [rvec, zz, ev + 1])
                o1 = plsc.load_gather(rows_v, [rvec, zz, ev + 3])
                w = f_v[pl.ds(c * CHUNK + t * LANES, LANES)]
                acc_h = acc_h + w * (h0 + fz * (h1 - h0))
                acc_o = acc_o + w * (o0 + fz * (o1 - o0))
            o_v[sl] = acc_h
            o_v[pl.ds(CHUNK + t * LANES, LANES)] = acc_o
            return _

        lax.fori_loop(0, CHUNK // LANES, sub_body, None)
        pltpu.sync_copy(o_v, opack.at[pl.ds(cg * 2 * CHUNK, 2 * CHUNK)])
        return _

    lax.fori_loop(0, nch, chunk_body, None)


def _sc_gather(tbl, idx2, fpack, n):
    mesh = plsc.VectorSubcoreMesh(core_axis_name="c", subcore_axis_name="s",
                                  num_cores=NC, num_subcores=NS)
    f = pl.kernel(
        _sc_body,
        out_type=jax.ShapeDtypeStruct((n * 2,), jnp.float32),
        mesh=mesh,
        scratch_types=[
            pltpu.VMEM((CHUNK * 4,), jnp.int32),
            pltpu.VMEM((CHUNK * 6,), jnp.float32),
            pltpu.VMEM((CHUNK * 4, 1, ROWF), jnp.float32),
            pltpu.VMEM((CHUNK * 2,), jnp.float32),
            pltpu.SemaphoreType.DMA,
            pltpu.SemaphoreType.DMA,
            pltpu.SemaphoreType.DMA,
        ],
        compiler_params=pltpu.CompilerParams(needs_layout_passes=False),
    )
    return f(tbl, idx2, fpack)


def _render_body(h_ref, o_ref, s_ref, out_ref):
    hh = h_ref[...]
    oo = o_ref[...]
    ss = s_ref[...]
    S1 = NB_SAMPLES - 1
    delta = ss[:, 1:] - ss[:, :S1]
    cur = delta * oo[:, :S1]
    t_i = lax.broadcasted_iota(jnp.int32, (S1, S1), 0)
    s_i = lax.broadcasted_iota(jnp.int32, (S1, S1), 1)
    excl = (t_i < s_i).astype(jnp.float32)
    cumm = jnp.dot(cur, excl, preferred_element_type=jnp.float32)
    trans = jnp.exp(-cumm)
    cs = 1.0 / (1.0 + jnp.exp(-hh[:, :S1]))
    res = jnp.sum(trans * (1.0 - jnp.exp(-cur)) * cs, axis=1)
    out_ref[...] = res.reshape(1, 1, -1)


def _render(interp_h, interp_o, samples, nb_rays):
    RB = 2048
    out = pl.pallas_call(
        _render_body,
        grid=(nb_rays // RB,),
        in_specs=[
            pl.BlockSpec((RB, NB_SAMPLES), lambda b: (b, 0)),
            pl.BlockSpec((RB, NB_SAMPLES), lambda b: (b, 0)),
            pl.BlockSpec((RB, NB_SAMPLES), lambda b: (b, 0)),
        ],
        out_specs=pl.BlockSpec((1, 1, RB), lambda b: (b, 0, 0)),
        out_shape=jax.ShapeDtypeStruct((nb_rays // RB, 1, RB), jnp.float32),
    )(interp_h, interp_o, samples)
    return out.reshape(nb_rays)


def _bitonic32(a):
    import numpy as _np
    lane = _np.arange(32)
    for k in (2, 4, 8, 16, 32):
        j = k >> 1
        while j:
            perm = lane ^ j
            asc = (lane & k) == 0 if k < 32 else _np.ones(32, bool)
            lower = (lane & j) == 0
            take_min = jnp.asarray(asc == lower)
            b = a[:, perm]
            a = jnp.where(take_min, jnp.minimum(a, b), jnp.maximum(a, b))
            j >>= 1
    return a


@jax.jit
def kernel(x, d, grid, opacity):
    nb_rays = x.shape[0]
    n = nb_rays * NB_SAMPLES

    inv_d = 1.0 / d
    inf = float(IDIM) * IDIM * IDIM
    t0 = (0.0 - x) * inv_d
    t1 = (float(IDIM) - x) * inv_d
    tmin = jnp.maximum(-inf, jnp.max(jnp.minimum(t0, t1), axis=1))
    tmax = jnp.minimum(inf, jnp.min(jnp.maximum(t0, t1), axis=1))
    u = jax.random.uniform(jax.random.key(42), (NB_SAMPLES, nb_rays),
                           jnp.float32)
    samples = _bitonic32((tmin[None, :] + u * (tmax - tmin)[None, :]).T)

    px = x[:, 0:1] + samples * d[:, 0:1]
    py = x[:, 1:2] + samples * d[:, 1:2]
    pz = x[:, 2:3] + samples * d[:, 2:3]
    flx, fly, flz = jnp.floor(px), jnp.floor(py), jnp.floor(pz)
    bi = jnp.clip(flx.astype(jnp.int32), 0, IDIM - 1)
    bj = jnp.clip(fly.astype(jnp.int32), 0, IDIM - 1)
    bk = jnp.clip(flz.astype(jnp.int32), 0, IDIM - 1)
    fx, fy, fz = px - flx, py - fly, pz - flz
    q = bk // 63
    p = bk - 63 * q

    r00 = q * NIJ + bi * NG + bj
    idx2 = jnp.stack([r00.reshape(-1, CHUNK),
                      (r00 + 1).reshape(-1, CHUNK),
                      (r00 + NG).reshape(-1, CHUNK),
                      (r00 + NG + 1).reshape(-1, CHUNK)],
                     axis=1).reshape(n * 4)
    fpack = jnp.stack([((1 - fx) * (1 - fy)).reshape(-1, CHUNK),
                       ((1 - fx) * fy).reshape(-1, CHUNK),
                       (fx * (1 - fy)).reshape(-1, CHUNK),
                       (fx * fy).reshape(-1, CHUNK),
                       fz.reshape(-1, CHUNK),
                       p.astype(jnp.float32).reshape(-1, CHUNK)],
                      axis=1).reshape(n * 6)

    tbl = _build_table(grid, opacity).reshape(NIJ * QROWS, 1, ROWF)

    opack = _sc_gather(tbl, idx2, fpack, n).reshape(-1, 2, CHUNK)
    interp_h = opack[:, 0, :].reshape(nb_rays, NB_SAMPLES)
    interp_o = opack[:, 1, :].reshape(nb_rays, NB_SAMPLES)

    return _render(interp_h, interp_o, samples, nb_rays)

# --- scband reference (transcript-rebuilt; emitter-appended) ---
"""Pipeline reference for scband-radiance-field-26345329394043 (READ-ONLY COPY).

The authoritative reference and input builder live on the scoring server;
editing this copy changes nothing except your own understanding.
"""

import jax, jax.numpy as jnp
import numpy as np

IDIM = 128
NB_SAMPLES = 32
NB_RAYS = 16384
DELTA = jnp.array([1.0, 1.0, 1.0], dtype=jnp.float32)
OFF = [(i, j, k) for i in (0, 1) for j in (0, 1) for k in (0, 1)]
OFFSETS = jnp.array(OFF, dtype=jnp.int32)


def setup_inputs(seed: int = 0) -> dict:
    key = jax.random.key(seed)
    k1, k2, k3, k4 = jax.random.split(key, 4)
    # ray origins strictly inside the [0, IDIM]^3 box so every ray intersects (mask all-True)
    x = jax.random.uniform(k1, (NB_RAYS, 3), jnp.float32, minval=1.0, maxval=float(IDIM) - 1.0)
    d = jax.random.normal(k2, (NB_RAYS, 3), jnp.float32)
    d = d / jnp.linalg.norm(d, axis=1, keepdims=True)
    # learned parameters (torch: self.grid, self.opacity initialized with torch.rand)
    grid = jax.random.uniform(k3, (IDIM + 1, IDIM + 1, IDIM + 1, 9), jnp.float32)
    opacity = jax.random.uniform(k4, (IDIM + 1, IDIM + 1, IDIM + 1), jnp.float32)
    return {"x": x, "d": d, "grid": grid, "opacity": opacity}


def intersect_ray_aabb(ray_origins, ray_inv_dirs, box_mins, box_maxs):
    inf = float(IDIM) * IDIM * IDIM
    t0 = (box_mins - ray_origins) * ray_inv_dirs
    t1 = (box_maxs - ray_origins) * ray_inv_dirs
    tsmaller = jnp.minimum(t0, t1)
    tbigger = jnp.maximum(t0, t1)
    tsmaller_max = jnp.max(tsmaller, axis=1)
    tbigger_min = jnp.min(tbigger, axis=1)
    tmin = jnp.maximum(-inf * jnp.ones(ray_origins.shape[0]), tsmaller_max)
    tmax = jnp.minimum(inf * jnp.ones(ray_origins.shape[0]), tbigger_min)
    return tmin, tmax


def rays_to_frustum(x, d, samples, delta_voxel):
    pts = x[:, None, :] + samples[:, :, None] * d[:, None, :]  # (R, S, 3)
    rel = pts / delta_voxel
    base = jnp.clip(jnp.floor(rel).astype(jnp.int32), 0, IDIM - 1)
    frustum = base[:, :, None, :] + OFFSETS[None, None, :, :]  # (R, S, 8, 3)
    neigh_pos = frustum.astype(jnp.float32) * delta_voxel
    dir_vec_neighs = neigh_pos - pts[:, :, None, :]
    return frustum, pts, dir_vec_neighs


def frustum_to_harmonics(frustum, dir_vec_neighs, grid, opacity):
    i = frustum[..., 0]
    j = frustum[..., 1]
    k = frustum[..., 2]
    neigh_harmonics = grid[i, j, k]   # gather: (R, S, 8, 9)
    neigh_opacities = opacity[i, j, k]  # gather: (R, S, 8)
    return neigh_harmonics, neigh_opacities


def trilinear_interpolation(points, neigh_values, dx=1.0, dy=1.0, dz=1.0):
    rel = points / jnp.array([dx, dy, dz], dtype=jnp.float32)
    frac = rel - jnp.floor(rel)
    fx, fy, fz = frac[:, 0], frac[:, 1], frac[:, 2]
    ws = []
    for (i, j, k) in OFF:
        wx = fx if i else (1.0 - fx)
        wy = fy if j else (1.0 - fy)
        wz = fz if k else (1.0 - fz)
        ws.append(wx * wy * wz)
    weights = jnp.stack(ws, axis=1)  # (N, 8)
    return jnp.sum(weights[:, :, None] * neigh_values, axis=1)


def reference(x, d, grid, opacity):
    nb_rays = x.shape[0]
    ray_inv_dirs = 1.0 / d
    box_min = jnp.zeros((nb_rays, 3), jnp.float32)
    box_max = jnp.full((nb_rays, 3), float(IDIM), jnp.float32)
    tmin, tmax = intersect_ray_aabb(x, ray_inv_dirs, box_min, box_max)
    # inputs are constructed so every ray intersects the box (mask all-True),
    # so the torch boolean-mask step is a no-op here
    key = jax.random.key(42)
    u = jax.random.uniform(key, (NB_SAMPLES, nb_rays), jnp.float32)
    samples = jnp.sort((tmin[None, :] + u * (tmax - tmin)[None, :]).T, axis=1)  # (R, S)
    frustum, sample_points, dir_vec_neighs = rays_to_frustum(x, d, samples, DELTA)
    neigh_harmonics, neigh_opacities = frustum_to_harmonics(frustum, dir_vec_neighs, grid, opacity)
    sp = sample_points.reshape(-1, 3)
    nh = neigh_harmonics.reshape(-1, 8, 9)
    no = neigh_opacities.reshape(-1, 8)[:, :, None]
    interp_harmonics = trilinear_interpolation(sp, nh, 1.0, 1.0, 1.0).reshape(nb_rays, NB_SAMPLES, 9)
    interp_opacities = trilinear_interpolation(sp, no, 1.0, 1.0, 1.0).reshape(nb_rays, NB_SAMPLES)
    # vectorized form of the torch per-sample accumulation loop (mathematically identical)
    delta_i = samples[:, 1:] - samples[:, :-1]                     # (R, S-1)
    cur_opacity = delta_i * interp_opacities[:, :-1]               # (R, S-1)
    cumm = jnp.concatenate([jnp.zeros((nb_rays, 1), jnp.float32), jnp.cumsum(cur_opacity, axis=1)[:, :-1]], axis=1)
    transmittance = jnp.exp(-cumm)
    color_sample = jax.nn.sigmoid(jnp.sum(interp_harmonics[:, :-1], axis=2))
    ray_color = jnp.sum(transmittance * (1.0 - jnp.exp(-cur_opacity)) * color_sample, axis=1)
    return ray_color

if __name__ == "__main__":
    import jax
    _d = setup_inputs()
    print(jax.jit(kernel)(*tuple(_d.values())))

</pallas_src>

<mosaic_0001>
#map = affine_map<(d0, d1) -> (0, 0, 0)>
#map1 = affine_map<(d0, d1) -> (0)>
module attributes {stable_mosaic.version = 14 : i64} {
  func.func @_sc_body(%arg0: i32, %arg1: i32, %arg2: memref<49923x1x128xf32, #tpu.memory_space<hbm>>, %arg3: memref<2097152xi32, #tpu.memory_space<hbm>>, %arg4: memref<3145728xf32, #tpu.memory_space<hbm>>, %arg5: memref<1048576xf32, #tpu.memory_space<hbm>>, %arg6: memref<512xi32, #tpu.memory_space<vmem>>, %arg7: memref<768xf32, #tpu.memory_space<vmem>>, %arg8: memref<512x1x128xf32, #tpu.memory_space<vmem>>, %arg9: memref<256xf32, #tpu.memory_space<vmem>>, %arg10: memref<!tpu.dma_semaphore, #tpu.memory_space<semaphore_mem>>, %arg11: memref<!tpu.dma_semaphore, #tpu.memory_space<semaphore_mem>>, %arg12: memref<!tpu.dma_semaphore, #tpu.memory_space<semaphore_mem>>) attributes {dimension_semantics = [#tpu.dimension_semantics<core_parallel>, #tpu.dimension_semantics<subcore_parallel>], iteration_bounds = array<i64: 2, 16>, scalar_prefetch = 0 : i64, scratch_operands = 7 : i64, tpu.core_type = #tpu.core_type<sc_vector_subcore>, window_params = [{transform_indices = #map}, {transform_indices = #map1}, {transform_indices = #map1}, {transform_indices = #map1}]} {
    %mul3A = arith.constant 2 : i32
    %mul3A_0 = arith.muli %arg1, %mul3A : i32
    %add3A = arith.addi %mul3A_0, %arg0 : i32
    %scan3A = arith.constant 0 : i32
    %scan3A_1 = arith.constant 128 : i32
    %scan3A_2 = arith.addi %scan3A, %scan3A_1 : i32
    %scan3A_3 = arith.constant 1 : i32
    scf.for %scan3A_5 = %scan3A to %scan3A_2 step %scan3A_3  : i32 {
      %mul3A_6 = arith.constant 128 : i32
      %mul3A_7 = arith.muli %add3A, %mul3A_6 : i32
      %add3A_8 = arith.addi %mul3A_7, %scan3A_5 : i32
      %mul3A_9 = arith.constant 128 : i32
      %mul3A_10 = arith.muli %add3A_8, %mul3A_9 : i32
      %mul3A_11 = arith.constant 4 : i32
      %mul3A_12 = arith.muli %mul3A_10, %mul3A_11 : i32
      %dma_start3A = tpu.memref_slice %arg3[%mul3A_12] : memref<2097152xi32, #tpu.memory_space<hbm>> -> memref<512xi32, #tpu.memory_space<hbm>>
      %dma_start3A_13 = tpu.memref_slice %arg3[%mul3A_12] : memref<2097152xi32, #tpu.memory_space<hbm>> -> memref<512xi32, #tpu.memory_space<hbm>>
      tpu.enqueue_dma source(%dma_start3A_13 : memref<512xi32, #tpu.memory_space<hbm>>) target(%arg6 : memref<512xi32, #tpu.memory_space<vmem>>) target_semaphore(%arg10 : memref<!tpu.dma_semaphore, #tpu.memory_space<semaphore_mem>>)
      %mul3A_14 = arith.constant 768 : i32
      %mul3A_15 = arith.muli %add3A_8, %mul3A_14 : i32
      %dma_start3A_16 = tpu.memref_slice %arg4[%mul3A_15] : memref<3145728xf32, #tpu.memory_space<hbm>> -> memref<768xf32, #tpu.memory_space<hbm>>
      %dma_start3A_17 = tpu.memref_slice %arg4[%mul3A_15] : memref<3145728xf32, #tpu.memory_space<hbm>> -> memref<768xf32, #tpu.memory_space<hbm>>
      tpu.enqueue_dma source(%dma_start3A_17 : memref<768xf32, #tpu.memory_space<hbm>>) target(%arg7 : memref<768xf32, #tpu.memory_space<vmem>>) target_semaphore(%arg11 : memref<!tpu.dma_semaphore, #tpu.memory_space<semaphore_mem>>)
      %dma_wait3A = tpu.memref_slice %arg3[%mul3A_12] : memref<2097152xi32, #tpu.memory_space<hbm>> -> memref<512xi32, #tpu.memory_space<hbm>>
      %dma_wait3A_18 = tpu.memref_slice %arg3[%mul3A_12] : memref<2097152xi32, #tpu.memory_space<hbm>> -> memref<512xi32, #tpu.memory_space<hbm>>
      tpu.wait_dma2 semaphore(%arg10 : memref<!tpu.dma_semaphore, #tpu.memory_space<semaphore_mem>>) src(%dma_wait3A_18 : memref<512xi32, #tpu.memory_space<hbm>>) dst(%arg6 : memref<512xi32, #tpu.memory_space<vmem>>)
      %dma_start3A_19 = arith.constant 0 : i32
      %dma_start3A_20 = arith.constant 0 : i32
      %dma_start3A_21 = arith.constant 0 : i32
      %dma_start3A_22 = tpu.memref_slice %arg8[%dma_start3A_19, %dma_start3A_20, %dma_start3A_21] : memref<512x1x128xf32, #tpu.memory_space<vmem>> -> memref<128x1x128xf32, #tpu.memory_space<vmem>>
      %dma_start3A_23 = arith.constant 0 : i32
      %dma_start3A_24 = tpu.memref_slice %arg6[%dma_start3A_23] : memref<512xi32, #tpu.memory_space<vmem>> -> memref<128xi32, #tpu.memory_space<vmem>>
      %dma_start3A_25 = arith.constant 0 : i32
      %dma_start3A_26 = arith.constant 0 : i32
      %dma_start3A_27 = arith.constant 0 : i32
      %dma_start3A_28 = tpu.memref_slice %arg2[%dma_start3A_25, %dma_start3A_26, %dma_start3A_27] : memref<49923x1x128xf32, #tpu.memory_space<hbm>> -> memref<49923x1x128xf32, #tpu.memory_space<hbm>>
      tpu.enqueue_indirect_dma source(%dma_start3A_28 : memref<49923x1x128xf32, #tpu.memory_space<hbm>>) target(%dma_start3A_22 : memref<128x1x128xf32, #tpu.memory_space<vmem>>) offsets(%dma_start3A_24 : memref<128xi32, #tpu.memory_space<vmem>>) semaphore(%arg12 : memref<!tpu.dma_semaphore, #tpu.memory_space<semaphore_mem>>)
      %dma_start3A_29 = arith.constant 128 : i32
      %dma_start3A_30 = arith.constant 0 : i32
      %dma_start3A_31 = arith.constant 0 : i32
      %dma_start3A_32 = tpu.memref_slice %arg8[%dma_start3A_29, %dma_start3A_30, %dma_start3A_31] : memref<512x1x128xf32, #tpu.memory_space<vmem>> -> memref<128x1x128xf32, #tpu.memory_space<vmem>>
      %dma_start3A_33 = arith.constant 128 : i32
      %dma_start3A_34 = tpu.memref_slice %arg6[%dma_start3A_33] : memref<512xi32, #tpu.memory_space<vmem>> -> memref<128xi32, #tpu.memory_space<vmem>>
      %dma_start3A_35 = arith.constant 0 : i32
      %dma_start3A_36 = arith.constant 0 : i32
      %dma_start3A_37 = arith.constant 0 : i32
      %dma_start3A_38 = tpu.memref_slice %arg2[%dma_start3A_35, %dma_start3A_36, %dma_start3A_37] : memref<49923x1x128xf32, #tpu.memory_space<hbm>> -> memref<49923x1x128xf32, #tpu.memory_space<hbm>>
      tpu.enqueue_indirect_dma source(%dma_start3A_38 : memref<49923x1x128xf32, #tpu.memory_space<hbm>>) target(%dma_start3A_32 : memref<128x1x128xf32, #tpu.memory_space<vmem>>) offsets(%dma_start3A_34 : memref<128xi32, #tpu.memory_space<vmem>>) semaphore(%arg12 : memref<!tpu.dma_semaphore, #tpu.memory_space<semaphore_mem>>)
      %dma_start3A_39 = arith.constant 256 : i32
      %dma_start3A_40 = arith.constant 0 : i32
      %dma_start3A_41 = arith.constant 0 : i32
      %dma_start3A_42 = tpu.memref_slice %arg8[%dma_start3A_39, %dma_start3A_40, %dma_start3A_41] : memref<512x1x128xf32, #tpu.memory_space<vmem>> -> memref<128x1x128xf32, #tpu.memory_space<vmem>>
      %dma_start3A_43 = arith.constant 256 : i32
      %dma_start3A_44 = tpu.memref_slice %arg6[%dma_start3A_43] : memref<512xi32, #tpu.memory_space<vmem>> -> memref<128xi32, #tpu.memory_space<vmem>>
      %dma_start3A_45 = arith.constant 0 : i32
      %dma_start3A_46 = arith.constant 0 : i32
      %dma_start3A_47 = arith.constant 0 : i32
      %dma_start3A_48 = tpu.memref_slice %arg2[%dma_start3A_45, %dma_start3A_46, %dma_start3A_47] : memref<49923x1x128xf32, #tpu.memory_space<hbm>> -> memref<49923x1x128xf32, #tpu.memory_space<hbm>>
      tpu.enqueue_indirect_dma source(%dma_start3A_48 : memref<49923x1x128xf32, #tpu.memory_space<hbm>>) target(%dma_start3A_42 : memref<128x1x128xf32, #tpu.memory_space<vmem>>) offsets(%dma_start3A_44 : memref<128xi32, #tpu.memory_space<vmem>>) semaphore(%arg12 : memref<!tpu.dma_semaphore, #tpu.memory_space<semaphore_mem>>)
      %dma_start3A_49 = arith.constant 384 : i32
      %dma_start3A_50 = arith.constant 0 : i32
      %dma_start3A_51 = arith.constant 0 : i32
      %dma_start3A_52 = tpu.memref_slice %arg8[%dma_start3A_49, %dma_start3A_50, %dma_start3A_51] : memref<512x1x128xf32, #tpu.memory_space<vmem>> -> memref<128x1x128xf32, #tpu.memory_space<vmem>>
      %dma_start3A_53 = arith.constant 384 : i32
      %dma_start3A_54 = tpu.memref_slice %arg6[%dma_start3A_53] : memref<512xi32, #tpu.memory_space<vmem>> -> memref<128xi32, #tpu.memory_space<vmem>>
      %dma_start3A_55 = arith.constant 0 : i32
      %dma_start3A_56 = arith.constant 0 : i32
      %dma_start3A_57 = arith.constant 0 : i32
      %dma_start3A_58 = tpu.memref_slice %arg2[%dma_start3A_55, %dma_start3A_56, %dma_start3A_57] : memref<49923x1x128xf32, #tpu.memory_space<hbm>> -> memref<49923x1x128xf32, #tpu.memory_space<hbm>>
      tpu.enqueue_indirect_dma source(%dma_start3A_58 : memref<49923x1x128xf32, #tpu.memory_space<hbm>>) target(%dma_start3A_52 : memref<128x1x128xf32, #tpu.memory_space<vmem>>) offsets(%dma_start3A_54 : memref<128xi32, #tpu.memory_space<vmem>>) semaphore(%arg12 : memref<!tpu.dma_semaphore, #tpu.memory_space<semaphore_mem>>)
      %dma_wait3A_59 = tpu.memref_slice %arg4[%mul3A_15] : memref<3145728xf32, #tpu.memory_space<hbm>> -> memref<768xf32, #tpu.memory_space<hbm>>
      %dma_wait3A_60 = tpu.memref_slice %arg4[%mul3A_15] : memref<3145728xf32, #tpu.memory_space<hbm>> -> memref<768xf32, #tpu.memory_space<hbm>>
      tpu.wait_dma2 semaphore(%arg11 : memref<!tpu.dma_semaphore, #tpu.memory_space<semaphore_mem>>) src(%dma_wait3A_60 : memref<768xf32, #tpu.memory_space<hbm>>) dst(%arg7 : memref<768xf32, #tpu.memory_space<vmem>>)
      %dma_wait3A_61 = arith.constant 0 : i32
      %dma_wait3A_62 = arith.constant 0 : i32
      %dma_wait3A_63 = arith.constant 0 : i32
      %dma_wait3A_64 = tpu.memref_slice %arg8[%dma_wait3A_61, %dma_wait3A_62, %dma_wait3A_63] : memref<512x1x128xf32, #tpu.memory_space<vmem>> -> memref<128x1x128xf32, #tpu.memory_space<vmem>>
      %dma_wait3A_65 = arith.constant 0 : i32
      %dma_wait3A_66 = tpu.memref_slice %arg6[%dma_wait3A_65] : memref<512xi32, #tpu.memory_space<vmem>> -> memref<128xi32, #tpu.memory_space<vmem>>
      %dma_wait3A_67 = arith.constant 0 : i32
      %dma_wait3A_68 = arith.constant 0 : i32
      %dma_wait3A_69 = arith.constant 0 : i32
      %dma_wait3A_70 = tpu.memref_slice %arg2[%dma_wait3A_67, %dma_wait3A_68, %dma_wait3A_69] : memref<49923x1x128xf32, #tpu.memory_space<hbm>> -> memref<49923x1x128xf32, #tpu.memory_space<hbm>>
      tpu.wait_indirect_dma semaphore(%arg12 : memref<!tpu.dma_semaphore, #tpu.memory_space<semaphore_mem>>) src(%dma_wait3A_70 : memref<49923x1x128xf32, #tpu.memory_space<hbm>>) dst(%dma_wait3A_64 : memref<128x1x128xf32, #tpu.memory_space<vmem>>)
      %dma_wait3A_71 = arith.constant 128 : i32
      %dma_wait3A_72 = arith.constant 0 : i32
      %dma_wait3A_73 = arith.constant 0 : i32
      %dma_wait3A_74 = tpu.memref_slice %arg8[%dma_wait3A_71, %dma_wait3A_72, %dma_wait3A_73] : memref<512x1x128xf32, #tpu.memory_space<vmem>> -> memref<128x1x128xf32, #tpu.memory_space<vmem>>
      %dma_wait3A_75 = arith.constant 128 : i32
      %dma_wait3A_76 = tpu.memref_slice %arg6[%dma_wait3A_75] : memref<512xi32, #tpu.memory_space<vmem>> -> memref<128xi32, #tpu.memory_space<vmem>>
      %dma_wait3A_77 = arith.constant 0 : i32
      %dma_wait3A_78 = arith.constant 0 : i32
      %dma_wait3A_79 = arith.constant 0 : i32
      %dma_wait3A_80 = tpu.memref_slice %arg2[%dma_wait3A_77, %dma_wait3A_78, %dma_wait3A_79] : memref<49923x1x128xf32, #tpu.memory_space<hbm>> -> memref<49923x1x128xf32, #tpu.memory_space<hbm>>
      tpu.wait_indirect_dma semaphore(%arg12 : memref<!tpu.dma_semaphore, #tpu.memory_space<semaphore_mem>>) src(%dma_wait3A_80 : memref<49923x1x128xf32, #tpu.memory_space<hbm>>) dst(%dma_wait3A_74 : memref<128x1x128xf32, #tpu.memory_space<vmem>>)
      %dma_wait3A_81 = arith.constant 256 : i32
      %dma_wait3A_82 = arith.constant 0 : i32
      %dma_wait3A_83 = arith.constant 0 : i32
      %dma_wait3A_84 = tpu.memref_slice %arg8[%dma_wait3A_81, %dma_wait3A_82, %dma_wait3A_83] : memref<512x1x128xf32, #tpu.memory_space<vmem>> -> memref<128x1x128xf32, #tpu.memory_space<vmem>>
      %dma_wait3A_85 = arith.constant 256 : i32
      %dma_wait3A_86 = tpu.memref_slice %arg6[%dma_wait3A_85] : memref<512xi32, #tpu.memory_space<vmem>> -> memref<128xi32, #tpu.memory_space<vmem>>
      %dma_wait3A_87 = arith.constant 0 : i32
      %dma_wait3A_88 = arith.constant 0 : i32
      %dma_wait3A_89 = arith.constant 0 : i32
      %dma_wait3A_90 = tpu.memref_slice %arg2[%dma_wait3A_87, %dma_wait3A_88, %dma_wait3A_89] : memref<49923x1x128xf32, #tpu.memory_space<hbm>> -> memref<49923x1x128xf32, #tpu.memory_space<hbm>>
      tpu.wait_indirect_dma semaphore(%arg12 : memref<!tpu.dma_semaphore, #tpu.memory_space<semaphore_mem>>) src(%dma_wait3A_90 : memref<49923x1x128xf32, #tpu.memory_space<hbm>>) dst(%dma_wait3A_84 : memref<128x1x128xf32, #tpu.memory_space<vmem>>)
      %dma_wait3A_91 = arith.constant 384 : i32
      %dma_wait3A_92 = arith.constant 0 : i32
      %dma_wait3A_93 = arith.constant 0 : i32
      %dma_wait3A_94 = tpu.memref_slice %arg8[%dma_wait3A_91, %dma_wait3A_92, %dma_wait3A_93] : memref<512x1x128xf32, #tpu.memory_space<vmem>> -> memref<128x1x128xf32, #tpu.memory_space<vmem>>
      %dma_wait3A_95 = arith.constant 384 : i32
      %dma_wait3A_96 = tpu.memref_slice %arg6[%dma_wait3A_95] : memref<512xi32, #tpu.memory_space<vmem>> -> memref<128xi32, #tpu.memory_space<vmem>>
      %dma_wait3A_97 = arith.constant 0 : i32
      %dma_wait3A_98 = arith.constant 0 : i32
      %dma_wait3A_99 = arith.constant 0 : i32
      %dma_wait3A_100 = tpu.memref_slice %arg2[%dma_wait3A_97, %dma_wait3A_98, %dma_wait3A_99] : memref<49923x1x128xf32, #tpu.memory_space<hbm>> -> memref<49923x1x128xf32, #tpu.memory_space<hbm>>
      tpu.wait_indirect_dma semaphore(%arg12 : memref<!tpu.dma_semaphore, #tpu.memory_space<semaphore_mem>>) src(%dma_wait3A_100 : memref<49923x1x128xf32, #tpu.memory_space<hbm>>) dst(%dma_wait3A_94 : memref<128x1x128xf32, #tpu.memory_space<vmem>>)
      %scan3A_101 = arith.constant 0 : i32
      %scan3A_102 = arith.constant 8 : i32
      %scan3A_103 = arith.addi %scan3A_101, %scan3A_102 : i32
      %scan3A_104 = arith.constant 1 : i32
      scf.for %scan3A_110 = %scan3A_101 to %scan3A_103 step %scan3A_104  : i32 {
        %mul3A_111 = arith.constant 16 : i32
        %mul3A_112 = arith.muli %scan3A_110, %mul3A_111 : i32
        %mul3A_113 = arith.constant 16 : i32
        %mul3A_114 = arith.muli %scan3A_110, %mul3A_113 : i32
        %add3A_115 = arith.constant 640 : i32
        %add3A_116 = arith.addi %add3A_115, %mul3A_114 : i32
        %get3A = arith.index_cast %add3A_116 : i32 to index
        %get3A_117 = tpu.vector_load %arg7[%get3A] {strides = array<i32>} : memref<768xf32, #tpu.memory_space<vmem>>, vector<16xf32>,
        %convert_element_type3A = arith.fptosi %get3A_117 : vector<16xf32> to vector<16xi32>
        %mul3A_118 = arith.constant 16 : i32
        %mul3A_119 = arith.muli %scan3A_110, %mul3A_118 : i32
        %add3A_120 = arith.constant 512 : i32
        %add3A_121 = arith.addi %add3A_120, %mul3A_119 : i32
        %get3A_122 = arith.index_cast %add3A_121 : i32 to index
        %get3A_123 = tpu.vector_load %arg7[%get3A_122] {strides = array<i32>} : memref<768xf32, #tpu.memory_space<vmem>>, vector<16xf32>,
        %iota3A = tpu.iota {dimensions = array<i32: 0>} : vector<16xi32>
        %mul3A_124 = arith.constant 16 : i32
        %mul3A_125 = arith.muli %scan3A_110, %mul3A_124 : i32
        %add3A_126 = vector.broadcast %mul3A_125 : i32 to vector<16xi32>
        %add3A_127 = arith.addi %add3A_126, %iota3A : vector<16xi32>
        %mul3A_128 = arith.constant 0 : i32
        %mul3A_129 = vector.broadcast %mul3A_128 : i32 to vector<16xi32>
        %mul3A_130 = arith.muli %iota3A, %mul3A_129 : vector<16xi32>
        %add3A_131 = arith.addi %convert_element_type3A, %convert_element_type3A : vector<16xi32>
        %broadcast_in_dim3A = arith.constant 0.000000e+00 : f32
        %broadcast_in_dim3A_132 = vector.broadcast %broadcast_in_dim3A : f32 to vector<16xf32>
        %broadcast_in_dim3A_133 = arith.constant 0.000000e+00 : f32
        %broadcast_in_dim3A_134 = vector.broadcast %broadcast_in_dim3A_133 : f32 to vector<16xf32>
        %add3A_135 = arith.constant 0 : i32
        %add3A_136 = vector.broadcast %add3A_135 : i32 to vector<16xi32>
        %add3A_137 = arith.addi %add3A_136, %add3A_127 : vector<16xi32>
        %gather3A = tpu.vector_load_idx %arg8[%add3A_137, %mul3A_130, %add3A_131] : memref<512x1x128xf32, #tpu.memory_space<vmem>>[vector<16xi32>, vector<16xi32>, vector<16xi32>], vector<16xf32>,
        %add3A_138 = arith.constant 2 : i32
        %add3A_139 = vector.broadcast %add3A_138 : i32 to vector<16xi32>
        %add3A_140 = arith.addi %add3A_131, %add3A_139 : vector<16xi32>
        %gather3A_141 = tpu.vector_load_idx %arg8[%add3A_137, %mul3A_130, %add3A_140] : memref<512x1x128xf32, #tpu.memory_space<vmem>>[vector<16xi32>, vector<16xi32>, vector<16xi32>], vector<16xf32>,
        %add3A_142 = arith.constant 1 : i32
        %add3A_143 = vector.broadcast %add3A_142 : i32 to vector<16xi32>
        %add3A_144 = arith.addi %add3A_131, %add3A_143 : vector<16xi32>
        %gather3A_145 = tpu.vector_load_idx %arg8[%add3A_137, %mul3A_130, %add3A_144] : memref<512x1x128xf32, #tpu.memory_space<vmem>>[vector<16xi32>, vector<16xi32>, vector<16xi32>], vector<16xf32>,
        %add3A_146 = arith.constant 3 : i32
        %add3A_147 = vector.broadcast %add3A_146 : i32 to vector<16xi32>
        %add3A_148 = arith.addi %add3A_131, %add3A_147 : vector<16xi32>
        %gather3A_149 = tpu.vector_load_idx %arg8[%add3A_137, %mul3A_130, %add3A_148] : memref<512x1x128xf32, #tpu.memory_space<vmem>>[vector<16xi32>, vector<16xi32>, vector<16xi32>], vector<16xf32>,
        %mul3A_150 = arith.constant 16 : i32
        %mul3A_151 = arith.muli %scan3A_110, %mul3A_150 : i32
        %add3A_152 = arith.constant 0 : i32
        %add3A_153 = arith.addi %add3A_152, %mul3A_151 : i32
        %get3A_154 = arith.index_cast %add3A_153 : i32 to index
        %get3A_155 = tpu.vector_load %arg7[%get3A_154] {strides = array<i32>} : memref<768xf32, #tpu.memory_space<vmem>>, vector<16xf32>,
        %sub3A = arith.subf %gather3A_141, %gather3A : vector<16xf32>
        %mul3A_156 = arith.mulf %get3A_123, %sub3A : vector<16xf32>
        %add3A_157 = arith.addf %gather3A, %mul3A_156 : vector<16xf32>
        %mul3A_158 = arith.mulf %get3A_155, %add3A_157 : vector<16xf32>
        %add3A_159 = arith.addf %broadcast_in_dim3A_132, %mul3A_158 : vector<16xf32>
        %sub3A_160 = arith.subf %gather3A_149, %gather3A_145 : vector<16xf32>
        %mul3A_161 = arith.mulf %get3A_123, %sub3A_160 : vector<16xf32>
        %add3A_162 = arith.addf %gather3A_145, %mul3A_161 : vector<16xf32>
        %mul3A_163 = arith.mulf %get3A_155, %add3A_162 : vector<16xf32>
        %add3A_164 = arith.addf %broadcast_in_dim3A_134, %mul3A_163 : vector<16xf32>
        %add3A_165 = arith.constant 128 : i32
        %add3A_166 = vector.broadcast %add3A_165 : i32 to vector<16xi32>
        %add3A_167 = arith.addi %add3A_166, %add3A_127 : vector<16xi32>
        %gather3A_168 = tpu.vector_load_idx %arg8[%add3A_167, %mul3A_130, %add3A_131] : memref<512x1x128xf32, #tpu.memory_space<vmem>>[vector<16xi32>, vector<16xi32>, vector<16xi32>], vector<16xf32>,
        %add3A_169 = arith.constant 2 : i32
        %add3A_170 = vector.broadcast %add3A_169 : i32 to vector<16xi32>
        %add3A_171 = arith.addi %add3A_131, %add3A_170 : vector<16xi32>
        %gather3A_172 = tpu.vector_load_idx %arg8[%add3A_167, %mul3A_130, %add3A_171] : memref<512x1x128xf32, #tpu.memory_space<vmem>>[vector<16xi32>, vector<16xi32>, vector<16xi32>], vector<16xf32>,
        %add3A_173 = arith.constant 1 : i32
        %add3A_174 = vector.broadcast %add3A_173 : i32 to vector<16xi32>
        %add3A_175 = arith.addi %add3A_131, %add3A_174 : vector<16xi32>
        %gather3A_176 = tpu.vector_load_idx %arg8[%add3A_167, %mul3A_130, %add3A_175] : memref<512x1x128xf32, #tpu.memory_space<vmem>>[vector<16xi32>, vector<16xi32>, vector<16xi32>], vector<16xf32>,
        %add3A_177 = arith.constant 3 : i32
        %add3A_178 = vector.broadcast %add3A_177 : i32 to vector<16xi32>
        %add3A_179 = arith.addi %add3A_131, %add3A_178 : vector<16xi32>
        %gather3A_180 = tpu.vector_load_idx %arg8[%add3A_167, %mul3A_130, %add3A_179] : memref<512x1x128xf32, #tpu.memory_space<vmem>>[vector<16xi32>, vector<16xi32>, vector<16xi32>], vector<16xf32>,
        %mul3A_181 = arith.constant 16 : i32
        %mul3A_182 = arith.muli %scan3A_110, %mul3A_181 : i32
        %add3A_183 = arith.constant 128 : i32
        %add3A_184 = arith.addi %add3A_183, %mul3A_182 : i32
        %get3A_185 = arith.index_cast %add3A_184 : i32 to index
        %get3A_186 = tpu.vector_load %arg7[%get3A_185] {strides = array<i32>} : memref<768xf32, #tpu.memory_space<vmem>>, vector<16xf32>,
        %sub3A_187 = arith.subf %gather3A_172, %gather3A_168 : vector<16xf32>
        %mul3A_188 = arith.mulf %get3A_123, %sub3A_187 : vector<16xf32>
        %add3A_189 = arith.addf %gather3A_168, %mul3A_188 : vector<16xf32>
        %mul3A_190 = arith.mulf %get3A_186, %add3A_189 : vector<16xf32>
        %add3A_191 = arith.addf %add3A_159, %mul3A_190 : vector<16xf32>
        %sub3A_192 = arith.subf %gather3A_180, %gather3A_176 : vector<16xf32>
        %mul3A_193 = arith.mulf %get3A_123, %sub3A_192 : vector<16xf32>
        %add3A_194 = arith.addf %gather3A_176, %mul3A_193 : vector<16xf32>
        %mul3A_195 = arith.mulf %get3A_186, %add3A_194 : vector<16xf32>
        %add3A_196 = arith.addf %add3A_164, %mul3A_195 : vector<16xf32>
        %add3A_197 = arith.constant 256 : i32
        %add3A_198 = vector.broadcast %add3A_197 : i32 to vector<16xi32>
        %add3A_199 = arith.addi %add3A_198, %add3A_127 : vector<16xi32>
        %gather3A_200 = tpu.vector_load_idx %arg8[%add3A_199, %mul3A_130, %add3A_131] : memref<512x1x128xf32, #tpu.memory_space<vmem>>[vector<16xi32>, vector<16xi32>, vector<16xi32>], vector<16xf32>,
        %add3A_201 = arith.constant 2 : i32
        %add3A_202 = vector.broadcast %add3A_201 : i32 to vector<16xi32>
        %add3A_203 = arith.addi %add3A_131, %add3A_202 : vector<16xi32>
        %gather3A_204 = tpu.vector_load_idx %arg8[%add3A_199, %mul3A_130, %add3A_203] : memref<512x1x128xf32, #tpu.memory_space<vmem>>[vector<16xi32>, vector<16xi32>, vector<16xi32>], vector<16xf32>,
        %add3A_205 = arith.constant 1 : i32
        %add3A_206 = vector.broadcast %add3A_205 : i32 to vector<16xi32>
        %add3A_207 = arith.addi %add3A_131, %add3A_206 : vector<16xi32>
        %gather3A_208 = tpu.vector_load_idx %arg8[%add3A_199, %mul3A_130, %add3A_207] : memref<512x1x128xf32, #tpu.memory_space<vmem>>[vector<16xi32>, vector<16xi32>, vector<16xi32>], vector<16xf32>,
        %add3A_209 = arith.constant 3 : i32
        %add3A_210 = vector.broadcast %add3A_209 : i32 to vector<16xi32>
        %add3A_211 = arith.addi %add3A_131, %add3A_210 : vector<16xi32>
        %gather3A_212 = tpu.vector_load_idx %arg8[%add3A_199, %mul3A_130, %add3A_211] : memref<512x1x128xf32, #tpu.memory_space<vmem>>[vector<16xi32>, vector<16xi32>, vector<16xi32>], vector<16xf32>,
        %mul3A_213 = arith.constant 16 : i32
        %mul3A_214 = arith.muli %scan3A_110, %mul3A_213 : i32
        %add3A_215 = arith.constant 256 : i32
        %add3A_216 = arith.addi %add3A_215, %mul3A_214 : i32
        %get3A_217 = arith.index_cast %add3A_216 : i32 to index
        %get3A_218 = tpu.vector_load %arg7[%get3A_217] {strides = array<i32>} : memref<768xf32, #tpu.memory_space<vmem>>, vector<16xf32>,
        %sub3A_219 = arith.subf %gather3A_204, %gather3A_200 : vector<16xf32>
        %mul3A_220 = arith.mulf %get3A_123, %sub3A_219 : vector<16xf32>
        %add3A_221 = arith.addf %gather3A_200, %mul3A_220 : vector<16xf32>
        %mul3A_222 = arith.mulf %get3A_218, %add3A_221 : vector<16xf32>
        %add3A_223 = arith.addf %add3A_191, %mul3A_222 : vector<16xf32>
        %sub3A_224 = arith.subf %gather3A_212, %gather3A_208 : vector<16xf32>
        %mul3A_225 = arith.mulf %get3A_123, %sub3A_224 : vector<16xf32>
        %add3A_226 = arith.addf %gather3A_208, %mul3A_225 : vector<16xf32>
        %mul3A_227 = arith.mulf %get3A_218, %add3A_226 : vector<16xf32>
        %add3A_228 = arith.addf %add3A_196, %mul3A_227 : vector<16xf32>
        %add3A_229 = arith.constant 384 : i32
        %add3A_230 = vector.broadcast %add3A_229 : i32 to vector<16xi32>
        %add3A_231 = arith.addi %add3A_230, %add3A_127 : vector<16xi32>
        %gather3A_232 = tpu.vector_load_idx %arg8[%add3A_231, %mul3A_130, %add3A_131] : memref<512x1x128xf32, #tpu.memory_space<vmem>>[vector<16xi32>, vector<16xi32>, vector<16xi32>], vector<16xf32>,
        %add3A_233 = arith.constant 2 : i32
        %add3A_234 = vector.broadcast %add3A_233 : i32 to vector<16xi32>
        %add3A_235 = arith.addi %add3A_131, %add3A_234 : vector<16xi32>
        %gather3A_236 = tpu.vector_load_idx %arg8[%add3A_231, %mul3A_130, %add3A_235] : memref<512x1x128xf32, #tpu.memory_space<vmem>>[vector<16xi32>, vector<16xi32>, vector<16xi32>], vector<16xf32>,
        %add3A_237 = arith.constant 1 : i32
        %add3A_238 = vector.broadcast %add3A_237 : i32 to vector<16xi32>
        %add3A_239 = arith.addi %add3A_131, %add3A_238 : vector<16xi32>
        %gather3A_240 = tpu.vector_load_idx %arg8[%add3A_231, %mul3A_130, %add3A_239] : memref<512x1x128xf32, #tpu.memory_space<vmem>>[vector<16xi32>, vector<16xi32>, vector<16xi32>], vector<16xf32>,
        %add3A_241 = arith.constant 3 : i32
        %add3A_242 = vector.broadcast %add3A_241 : i32 to vector<16xi32>
        %add3A_243 = arith.addi %add3A_131, %add3A_242 : vector<16xi32>
        %gather3A_244 = tpu.vector_load_idx %arg8[%add3A_231, %mul3A_130, %add3A_243] : memref<512x1x128xf32, #tpu.memory_space<vmem>>[vector<16xi32>, vector<16xi32>, vector<16xi32>], vector<16xf32>,
        %mul3A_245 = arith.constant 16 : i32
        %mul3A_246 = arith.muli %scan3A_110, %mul3A_245 : i32
        %add3A_247 = arith.constant 384 : i32
        %add3A_248 = arith.addi %add3A_247, %mul3A_246 : i32
        %get3A_249 = arith.index_cast %add3A_248 : i32 to index
        %get3A_250 = tpu.vector_load %arg7[%get3A_249] {strides = array<i32>} : memref<768xf32, #tpu.memory_space<vmem>>, vector<16xf32>,
        %sub3A_251 = arith.subf %gather3A_236, %gather3A_232 : vector<16xf32>
        %mul3A_252 = arith.mulf %get3A_123, %sub3A_251 : vector<16xf32>
        %add3A_253 = arith.addf %gather3A_232, %mul3A_252 : vector<16xf32>
        %mul3A_254 = arith.mulf %get3A_250, %add3A_253 : vector<16xf32>
        %add3A_255 = arith.addf %add3A_223, %mul3A_254 : vector<16xf32>
        %sub3A_256 = arith.subf %gather3A_244, %gather3A_240 : vector<16xf32>
        %mul3A_257 = arith.mulf %get3A_123, %sub3A_256 : vector<16xf32>
        %add3A_258 = arith.addf %gather3A_240, %mul3A_257 : vector<16xf32>
        %mul3A_259 = arith.mulf %get3A_250, %add3A_258 : vector<16xf32>
        %add3A_260 = arith.addf %add3A_228, %mul3A_259 : vector<16xf32>
        %swap3A = arith.index_cast %mul3A_112 : i32 to index
        %swap3A_261 = tpu.vector_load %arg9[%swap3A] {strides = array<i32>} : memref<256xf32, #tpu.memory_space<vmem>>, vector<16xf32>,
        tpu.vector_store %arg9[%swap3A], %add3A_255 {strides = array<i32>} : memref<256xf32, #tpu.memory_space<vmem>>, vector<16xf32>,
        %mul3A_262 = arith.constant 16 : i32
        %mul3A_263 = arith.muli %scan3A_110, %mul3A_262 : i32
        %add3A_264 = arith.constant 128 : i32
        %add3A_265 = arith.addi %add3A_264, %mul3A_263 : i32
        %swap3A_266 = arith.index_cast %add3A_265 : i32 to index
        %swap3A_267 = tpu.vector_load %arg9[%swap3A_266] {strides = array<i32>} : memref<256xf32, #tpu.memory_space<vmem>>, vector<16xf32>,
        tpu.vector_store %arg9[%swap3A_266], %add3A_260 {strides = array<i32>} : memref<256xf32, #tpu.memory_space<vmem>>, vector<16xf32>,
      }
      %scan3A_105 = arith.constant 8 : i32
      %mul3A_106 = arith.constant 2 : i32
      %mul3A_107 = arith.muli %add3A_8, %mul3A_106 : i32
      %mul3A_108 = arith.constant 128 : i32
      %mul3A_109 = arith.muli %mul3A_107, %mul3A_108 : i32
      "tpu.region"() ({
        %run_scoped3A = tpu.sem_alloc : memref<!tpu.dma_semaphore, #tpu.memory_space<semaphore_mem>>
        %dma_start3A_110 = tpu.memref_slice %arg5[%mul3A_109] : memref<1048576xf32, #tpu.memory_space<hbm>> -> memref<256xf32, #tpu.memory_space<hbm>>
        %dma_start3A_111 = tpu.memref_slice %arg5[%mul3A_109] : memref<1048576xf32, #tpu.memory_space<hbm>> -> memref<256xf32, #tpu.memory_space<hbm>>
        tpu.enqueue_dma source(%arg9 : memref<256xf32, #tpu.memory_space<vmem>>) target(%dma_start3A_111 : memref<256xf32, #tpu.memory_space<hbm>>) target_semaphore(%run_scoped3A : memref<!tpu.dma_semaphore, #tpu.memory_space<semaphore_mem>>)
        %dma_wait3A_112 = tpu.memref_slice %arg5[%mul3A_109] : memref<1048576xf32, #tpu.memory_space<hbm>> -> memref<256xf32, #tpu.memory_space<hbm>>
        %dma_wait3A_113 = tpu.memref_slice %arg5[%mul3A_109] : memref<1048576xf32, #tpu.memory_space<hbm>> -> memref<256xf32, #tpu.memory_space<hbm>>
        tpu.wait_dma2 semaphore(%run_scoped3A : memref<!tpu.dma_semaphore, #tpu.memory_space<semaphore_mem>>) src(%arg9 : memref<256xf32, #tpu.memory_space<vmem>>) dst(%dma_wait3A_113 : memref<256xf32, #tpu.memory_space<hbm>>)
        tpu.yield
      }) : () -> ()
    }
    %scan3A_4 = arith.constant 128 : i32
    return
  }
}

module attributes {stable_mosaic.version = 14 : i64} {
  func.func @_tbl_body(%arg0: i32, %arg1: memref<3x129x1161xf32, #tpu.memory_space<vmem>>, %arg2: memref<3x129x129xf32, #tpu.memory_space<vmem>>, %arg3: memref<49923x128xf32, #tpu.memory_space<vmem>>) attributes {dimension_semantics = [#tpu.dimension_semantics<arbitrary>], iteration_bounds = array<i64: 43>, scalar_prefetch = 0 : i64, scratch_operands = 0 : i64, tpu.core_type = #tpu.core_type<tc>, window_params = [{transform_indices = @transform_0, window_bounds = array<i64: 3, 129, 1161>}, {transform_indices = @transform_1, window_bounds = array<i64: 3, 129, 129>}, {pipeline_mode = #tpu.pipeline_mode<synchronous>, transform_indices = @transform_2, window_bounds = array<i64: 49923, 128>}]} {
    %get3A = arith.constant 0 : index
    %get3A_0 = arith.constant 0 : index
    %get3A_1 = arith.constant 0 : index
    %get3A_2 = vector.load %arg1[%get3A, %get3A_0, %get3A_1] : memref<3x129x1161xf32, #tpu.memory_space<vmem>>, vector<3x129x1161xf32>
    %get3A_3 = arith.constant 0 : index
    %get3A_4 = arith.constant 0 : index
    %get3A_5 = arith.constant 0 : index
    %get3A_6 = vector.load %arg2[%get3A_3, %get3A_4, %get3A_5] : memref<3x129x129xf32, #tpu.memory_space<vmem>>, vector<3x129x129xf32>
    %iota3A = tpu.iota {dimensions = array<i32: 0>} : vector<1161x129xi32>
    %iota3A_7 = tpu.iota {dimensions = array<i32: 1>} : vector<1161x129xi32>
    %jit3A = arith.constant 9 : i32
    %div3A = vector.broadcast %jit3A : i32 to vector<1161x129xi32>
    %div3A_8 = arith.divsi %iota3A, %div3A : vector<1161x129xi32>
    %sign3A = arith.constant 0 : i32
    %sign3A_9 = vector.broadcast %sign3A : i32 to vector<1161x129xi32>
    %sign3A_10 = arith.cmpi sgt, %iota3A, %sign3A_9 : vector<1161x129xi32>
    %sign3A_11 = arith.extui %sign3A_10 : vector<1161x129xi1> to vector<1161x129xi32>
    %sign3A_12 = arith.constant 0 : i32
    %sign3A_13 = vector.broadcast %sign3A_12 : i32 to vector<1161x129xi32>
    %sign3A_14 = arith.cmpi slt, %iota3A, %sign3A_13 : vector<1161x129xi32>
    %sign3A_15 = arith.extui %sign3A_14 : vector<1161x129xi1> to vector<1161x129xi32>
    %sign3A_16 = arith.subi %sign3A_11, %sign3A_15 : vector<1161x129xi32>
    %sign3A_17 = arith.constant 0 : i32
    %sign3A_18 = arith.cmpi sgt, %jit3A, %sign3A_17 : i32
    %sign3A_19 = arith.extui %sign3A_18 : i1 to i32
    %sign3A_20 = arith.constant 0 : i32
    %sign3A_21 = arith.cmpi slt, %jit3A, %sign3A_20 : i32
    %sign3A_22 = arith.extui %sign3A_21 : i1 to i32
    %sign3A_23 = arith.subi %sign3A_19, %sign3A_22 : i32
    %ne3A = vector.broadcast %sign3A_23 : i32 to vector<1161x129xi32>
    %ne3A_24 = arith.cmpi ne, %sign3A_16, %ne3A : vector<1161x129xi32>
    %rem3A = vector.broadcast %jit3A : i32 to vector<1161x129xi32>
    %rem3A_25 = arith.remsi %iota3A, %rem3A : vector<1161x129xi32>
    %ne3A_26 = arith.constant 0 : i32
    %ne3A_27 = vector.broadcast %ne3A_26 : i32 to vector<1161x129xi32>
    %ne3A_28 = arith.cmpi ne, %rem3A_25, %ne3A_27 : vector<1161x129xi32>
    %and3A = arith.andi %ne3A_24, %ne3A_28 : vector<1161x129xi1>
    %sub3A = arith.constant 1 : i32
    %sub3A_29 = vector.broadcast %sub3A : i32 to vector<1161x129xi32>
    %sub3A_30 = arith.subi %div3A_8, %sub3A_29 : vector<1161x129xi32>
    %select_n3A = arith.select %and3A, %sub3A_30, %div3A_8 : vector<1161x129xi1>, vector<1161x129xi32>
    %eq3A = arith.cmpi eq, %select_n3A, %iota3A_7 : vector<1161x129xi32>
    %convert_element_type3A = arith.extui %eq3A : vector<1161x129xi1> to vector<1161x129xi32>
    %convert_element_type3A_31 = arith.sitofp %convert_element_type3A : vector<1161x129xi32> to vector<1161x129xf32>
    %slice3A = vector.extract_strided_slice %get3A_2 {offsets = [0, 0, 0], sizes = [1, 129, 1161], strides = [1, 1, 1]} : vector<3x129x1161xf32> to vector<1x129x1161xf32>
    %squeeze3A = vector.shape_cast %slice3A : vector<1x129x1161xf32> to vector<129x1161xf32>
    %dot_general3A = arith.constant dense<0.000000e+00> : vector<129x129xf32>
    %dot_general3A_32 = tpu.matmul %squeeze3A, %convert_element_type3A_31, %dot_general3A {dimension_numbers = #tpu.dot_dimension_numbers<[1], [0], [0], [1], [0, 0, 1, 1], [], []>, transpose_lhs_hint = false} : vector<129x1161xf32>, vector<1161x129xf32>, vector<129x129xf32> -> vector<129x129xf32>
    %slice3A_33 = vector.extract_strided_slice %get3A_2 {offsets = [1, 0, 0], sizes = [1, 129, 1161], strides = [1, 1, 1]} : vector<3x129x1161xf32> to vector<1x129x1161xf32>
    %squeeze3A_34 = vector.shape_cast %slice3A_33 : vector<1x129x1161xf32> to vector<129x1161xf32>
    %dot_general3A_35 = arith.constant dense<0.000000e+00> : vector<129x129xf32>
    %dot_general3A_36 = tpu.matmul %squeeze3A_34, %convert_element_type3A_31, %dot_general3A_35 {dimension_numbers = #tpu.dot_dimension_numbers<[1], [0], [0], [1], [0, 0, 1, 1], [], []>, transpose_lhs_hint = false} : vector<129x1161xf32>, vector<1161x129xf32>, vector<129x129xf32> -> vector<129x129xf32>
    %slice3A_37 = vector.extract_strided_slice %get3A_2 {offsets = [2, 0, 0], sizes = [1, 129, 1161], strides = [1, 1, 1]} : vector<3x129x1161xf32> to vector<1x129x1161xf32>
    %squeeze3A_38 = vector.shape_cast %slice3A_37 : vector<1x129x1161xf32> to vector<129x1161xf32>
    %dot_general3A_39 = arith.constant dense<0.000000e+00> : vector<129x129xf32>
    %dot_general3A_40 = tpu.matmul %squeeze3A_38, %convert_element_type3A_31, %dot_general3A_39 {dimension_numbers = #tpu.dot_dimension_numbers<[1], [0], [0], [1], [0, 0, 1, 1], [], []>, transpose_lhs_hint = false} : vector<129x1161xf32>, vector<1161x129xf32>, vector<129x129xf32> -> vector<129x129xf32>
    %stack3A = vector.shape_cast %dot_general3A_32 : vector<129x129xf32> to vector<1x129x129xf32>
    %stack3A_41 = vector.shape_cast %dot_general3A_36 : vector<129x129xf32> to vector<1x129x129xf32>
    %stack3A_42 = vector.shape_cast %dot_general3A_40 : vector<129x129xf32> to vector<1x129x129xf32>
    %stack3A_43 = tpu.concatenate %stack3A, %stack3A_41, %stack3A_42 in 0 : vector<1x129x129xf32>, vector<1x129x129xf32>, vector<1x129x129xf32> -> vector<3x129x129xf32>
    %iota3A_44 = tpu.iota {dimensions = array<i32: 0>} : vector<190x384xi32>
    %iota3A_45 = tpu.iota {dimensions = array<i32: 1>} : vector<190x384xi32>
    %jit3A_46 = arith.constant 128 : i32
    %eq3A_47 = arith.constant 0 : i32
    %eq3A_48 = arith.cmpi eq, %jit3A_46, %eq3A_47 : i32
    %jit3A_49 = arith.constant 1 : i32
    %select_n3A_50 = arith.select %eq3A_48, %jit3A_49, %jit3A_46 : i32
    %rem3A_51 = vector.broadcast %select_n3A_50 : i32 to vector<190x384xi32>
    %rem3A_52 = arith.remsi %iota3A_45, %rem3A_51 : vector<190x384xi32>
    %ne3A_53 = arith.constant 0 : i32
    %ne3A_54 = vector.broadcast %ne3A_53 : i32 to vector<190x384xi32>
    %ne3A_55 = arith.cmpi ne, %rem3A_52, %ne3A_54 : vector<190x384xi32>
    %lt3A = arith.constant 0 : i32
    %lt3A_56 = vector.broadcast %lt3A : i32 to vector<190x384xi32>
    %lt3A_57 = arith.cmpi slt, %rem3A_52, %lt3A_56 : vector<190x384xi32>
    %lt3A_58 = arith.constant 0 : i32
    %lt3A_59 = arith.cmpi slt, %select_n3A_50, %lt3A_58 : i32
    %ne3A_60 = vector.broadcast %lt3A_59 : i1 to vector<190x384xi1>
    %ne3A_61 = vector.broadcast %ne3A_60 : vector<190x384xi1> to vector<190x384xi1>
    %ne3A_62 = arith.xori %lt3A_57, %ne3A_61 : vector<190x384xi1>
    %and3A_63 = arith.andi %ne3A_62, %ne3A_55 : vector<190x384xi1>
    %add3A = vector.broadcast %select_n3A_50 : i32 to vector<190x384xi32>
    %add3A_64 = arith.addi %rem3A_52, %add3A : vector<190x384xi32>
    %select_n3A_65 = arith.select %and3A_63, %add3A_64, %rem3A_52 : vector<190x384xi1>, vector<190x384xi32>
    %jit3A_66 = arith.constant 128 : i32
    %div3A_67 = vector.broadcast %jit3A_66 : i32 to vector<190x384xi32>
    %div3A_68 = arith.divsi %iota3A_45, %div3A_67 : vector<190x384xi32>
    %sign3A_69 = arith.constant 0 : i32
    %sign3A_70 = vector.broadcast %sign3A_69 : i32 to vector<190x384xi32>
    %sign3A_71 = arith.cmpi sgt, %iota3A_45, %sign3A_70 : vector<190x384xi32>
    %sign3A_72 = arith.extui %sign3A_71 : vector<190x384xi1> to vector<190x384xi32>
    %sign3A_73 = arith.constant 0 : i32
    %sign3A_74 = vector.broadcast %sign3A_73 : i32 to vector<190x384xi32>
    %sign3A_75 = arith.cmpi slt, %iota3A_45, %sign3A_74 : vector<190x384xi32>
    %sign3A_76 = arith.extui %sign3A_75 : vector<190x384xi1> to vector<190x384xi32>
    %sign3A_77 = arith.subi %sign3A_72, %sign3A_76 : vector<190x384xi32>
    %sign3A_78 = arith.constant 0 : i32
    %sign3A_79 = arith.cmpi sgt, %jit3A_66, %sign3A_78 : i32
    %sign3A_80 = arith.extui %sign3A_79 : i1 to i32
    %sign3A_81 = arith.constant 0 : i32
    %sign3A_82 = arith.cmpi slt, %jit3A_66, %sign3A_81 : i32
    %sign3A_83 = arith.extui %sign3A_82 : i1 to i32
    %sign3A_84 = arith.subi %sign3A_80, %sign3A_83 : i32
    %ne3A_85 = vector.broadcast %sign3A_84 : i32 to vector<190x384xi32>
    %ne3A_86 = arith.cmpi ne, %sign3A_77, %ne3A_85 : vector<190x384xi32>
    %rem3A_87 = vector.broadcast %jit3A_66 : i32 to vector<190x384xi32>
    %rem3A_88 = arith.remsi %iota3A_45, %rem3A_87 : vector<190x384xi32>
    %ne3A_89 = arith.constant 0 : i32
    %ne3A_90 = vector.broadcast %ne3A_89 : i32 to vector<190x384xi32>
    %ne3A_91 = arith.cmpi ne, %rem3A_88, %ne3A_90 : vector<190x384xi32>
    %and3A_92 = arith.andi %ne3A_86, %ne3A_91 : vector<190x384xi1>
    %sub3A_93 = arith.constant 1 : i32
    %sub3A_94 = vector.broadcast %sub3A_93 : i32 to vector<190x384xi32>
    %sub3A_95 = arith.subi %div3A_68, %sub3A_94 : vector<190x384xi32>
    %select_n3A_96 = arith.select %and3A_92, %sub3A_95, %div3A_68 : vector<190x384xi1>, vector<190x384xi32>
    %mul3A = arith.constant 63 : i32
    %mul3A_97 = vector.broadcast %mul3A : i32 to vector<190x384xi32>
    %mul3A_98 = arith.muli %mul3A_97, %select_n3A_96 : vector<190x384xi32>
    %jit3A_99 = arith.constant 2 : i32
    %div3A_100 = vector.broadcast %jit3A_99 : i32 to vector<190x384xi32>
    %div3A_101 = arith.divsi %select_n3A_65, %div3A_100 : vector<190x384xi32>
    %sign3A_102 = arith.constant 0 : i32
    %sign3A_103 = vector.broadcast %sign3A_102 : i32 to vector<190x384xi32>
    %sign3A_104 = arith.cmpi sgt, %select_n3A_65, %sign3A_103 : vector<190x384xi32>
    %sign3A_105 = arith.extui %sign3A_104 : vector<190x384xi1> to vector<190x384xi32>
    %sign3A_106 = arith.constant 0 : i32
    %sign3A_107 = vector.broadcast %sign3A_106 : i32 to vector<190x384xi32>
    %sign3A_108 = arith.cmpi slt, %select_n3A_65, %sign3A_107 : vector<190x384xi32>
    %sign3A_109 = arith.extui %sign3A_108 : vector<190x384xi1> to vector<190x384xi32>
    %sign3A_110 = arith.subi %sign3A_105, %sign3A_109 : vector<190x384xi32>
    %sign3A_111 = arith.constant 0 : i32
    %sign3A_112 = arith.cmpi sgt, %jit3A_99, %sign3A_111 : i32
    %sign3A_113 = arith.extui %sign3A_112 : i1 to i32
    %sign3A_114 = arith.constant 0 : i32
    %sign3A_115 = arith.cmpi slt, %jit3A_99, %sign3A_114 : i32
    %sign3A_116 = arith.extui %sign3A_115 : i1 to i32
    %sign3A_117 = arith.subi %sign3A_113, %sign3A_116 : i32
    %ne3A_118 = vector.broadcast %sign3A_117 : i32 to vector<190x384xi32>
    %ne3A_119 = arith.cmpi ne, %sign3A_110, %ne3A_118 : vector<190x384xi32>
    %rem3A_120 = vector.broadcast %jit3A_99 : i32 to vector<190x384xi32>
    %rem3A_121 = arith.remsi %select_n3A_65, %rem3A_120 : vector<190x384xi32>
    %ne3A_122 = arith.constant 0 : i32
    %ne3A_123 = vector.broadcast %ne3A_122 : i32 to vector<190x384xi32>
    %ne3A_124 = arith.cmpi ne, %rem3A_121, %ne3A_123 : vector<190x384xi32>
    %and3A_125 = arith.andi %ne3A_119, %ne3A_124 : vector<190x384xi1>
    %sub3A_126 = arith.constant 1 : i32
    %sub3A_127 = vector.broadcast %sub3A_126 : i32 to vector<190x384xi32>
    %sub3A_128 = arith.subi %div3A_101, %sub3A_127 : vector<190x384xi32>
    %select_n3A_129 = arith.select %and3A_125, %sub3A_128, %div3A_101 : vector<190x384xi1>, vector<190x384xi32>
    %add3A_130 = arith.addi %mul3A_98, %select_n3A_129 : vector<190x384xi32>
    %jit3A_131 = arith.constant 2 : i32
    %eq3A_132 = arith.constant 0 : i32
    %eq3A_133 = arith.cmpi eq, %jit3A_131, %eq3A_132 : i32
    %jit3A_134 = arith.constant 1 : i32
    %select_n3A_135 = arith.select %eq3A_133, %jit3A_134, %jit3A_131 : i32
    %rem3A_136 = vector.broadcast %select_n3A_135 : i32 to vector<190x384xi32>
    %rem3A_137 = arith.remsi %select_n3A_65, %rem3A_136 : vector<190x384xi32>
    %ne3A_138 = arith.constant 0 : i32
    %ne3A_139 = vector.broadcast %ne3A_138 : i32 to vector<190x384xi32>
    %ne3A_140 = arith.cmpi ne, %rem3A_137, %ne3A_139 : vector<190x384xi32>
    %lt3A_141 = arith.constant 0 : i32
    %lt3A_142 = vector.broadcast %lt3A_141 : i32 to vector<190x384xi32>
    %lt3A_143 = arith.cmpi slt, %rem3A_137, %lt3A_142 : vector<190x384xi32>
    %lt3A_144 = arith.constant 0 : i32
    %lt3A_145 = arith.cmpi slt, %select_n3A_135, %lt3A_144 : i32
    %ne3A_146 = vector.broadcast %lt3A_145 : i1 to vector<190x384xi1>
    %ne3A_147 = vector.broadcast %ne3A_146 : vector<190x384xi1> to vector<190x384xi1>
    %ne3A_148 = arith.xori %lt3A_143, %ne3A_147 : vector<190x384xi1>
    %and3A_149 = arith.andi %ne3A_148, %ne3A_140 : vector<190x384xi1>
    %add3A_150 = vector.broadcast %select_n3A_135 : i32 to vector<190x384xi32>
    %add3A_151 = arith.addi %rem3A_137, %add3A_150 : vector<190x384xi32>
    %select_n3A_152 = arith.select %and3A_149, %add3A_151, %rem3A_137 : vector<190x384xi1>, vector<190x384xi32>
    %eq3A_153 = arith.constant 0 : i32
    %eq3A_154 = vector.broadcast %eq3A_153 : i32 to vector<190x384xi32>
    %eq3A_155 = arith.cmpi eq, %select_n3A_152, %eq3A_154 : vector<190x384xi32>
    %eq3A_156 = arith.cmpi eq, %iota3A_44, %add3A_130 : vector<190x384xi32>
    %and3A_157 = arith.andi %eq3A_155, %eq3A_156 : vector<190x384xi1>
    %convert_element_type3A_158 = arith.extui %and3A_157 : vector<190x384xi1> to vector<190x384xi32>
    %convert_element_type3A_159 = arith.sitofp %convert_element_type3A_158 : vector<190x384xi32> to vector<190x384xf32>
    %jit3A_160 = arith.constant 2 : i32
    %eq3A_161 = arith.constant 0 : i32
    %eq3A_162 = arith.cmpi eq, %jit3A_160, %eq3A_161 : i32
    %jit3A_163 = arith.constant 1 : i32
    %select_n3A_164 = arith.select %eq3A_162, %jit3A_163, %jit3A_160 : i32
    %rem3A_165 = vector.broadcast %select_n3A_164 : i32 to vector<190x384xi32>
    %rem3A_166 = arith.remsi %select_n3A_65, %rem3A_165 : vector<190x384xi32>
    %ne3A_167 = arith.constant 0 : i32
    %ne3A_168 = vector.broadcast %ne3A_167 : i32 to vector<190x384xi32>
    %ne3A_169 = arith.cmpi ne, %rem3A_166, %ne3A_168 : vector<190x384xi32>
    %lt3A_170 = arith.constant 0 : i32
    %lt3A_171 = vector.broadcast %lt3A_170 : i32 to vector<190x384xi32>
    %lt3A_172 = arith.cmpi slt, %rem3A_166, %lt3A_171 : vector<190x384xi32>
    %lt3A_173 = arith.constant 0 : i32
    %lt3A_174 = arith.cmpi slt, %select_n3A_164, %lt3A_173 : i32
    %ne3A_175 = vector.broadcast %lt3A_174 : i1 to vector<190x384xi1>
    %ne3A_176 = vector.broadcast %ne3A_175 : vector<190x384xi1> to vector<190x384xi1>
    %ne3A_177 = arith.xori %lt3A_172, %ne3A_176 : vector<190x384xi1>
    %and3A_178 = arith.andi %ne3A_177, %ne3A_169 : vector<190x384xi1>
    %add3A_179 = vector.broadcast %select_n3A_164 : i32 to vector<190x384xi32>
    %add3A_180 = arith.addi %rem3A_166, %add3A_179 : vector<190x384xi32>
    %select_n3A_181 = arith.select %and3A_178, %add3A_180, %rem3A_166 : vector<190x384xi1>, vector<190x384xi32>
    %eq3A_182 = arith.constant 1 : i32
    %eq3A_183 = vector.broadcast %eq3A_182 : i32 to vector<190x384xi32>
    %eq3A_184 = arith.cmpi eq, %select_n3A_181, %eq3A_183 : vector<190x384xi32>
    %eq3A_185 = arith.cmpi eq, %iota3A_44, %add3A_130 : vector<190x384xi32>
    %and3A_186 = arith.andi %eq3A_184, %eq3A_185 : vector<190x384xi1>
    %convert_element_type3A_187 = arith.extui %and3A_186 : vector<190x384xi1> to vector<190x384xi32>
    %convert_element_type3A_188 = arith.sitofp %convert_element_type3A_187 : vector<190x384xi32> to vector<190x384xf32>
    %broadcast_in_dim3A = arith.constant 0.000000e+00 : f32
    %broadcast_in_dim3A_189 = vector.broadcast %broadcast_in_dim3A : f32 to vector<129x61xf32>
    %slice3A_190 = vector.extract_strided_slice %stack3A_43 {offsets = [0, 0, 0], sizes = [1, 129, 129], strides = [1, 1, 1]} : vector<3x129x129xf32> to vector<1x129x129xf32>
    %squeeze3A_191 = vector.shape_cast %slice3A_190 : vector<1x129x129xf32> to vector<129x129xf32>
    %concatenate3A = tpu.concatenate %squeeze3A_191, %broadcast_in_dim3A_189 in 1 : vector<129x129xf32>, vector<129x61xf32> -> vector<129x190xf32>
    %slice3A_192 = vector.extract_strided_slice %get3A_6 {offsets = [0, 0, 0], sizes = [1, 129, 129], strides = [1, 1, 1]} : vector<3x129x129xf32> to vector<1x129x129xf32>
    %squeeze3A_193 = vector.shape_cast %slice3A_192 : vector<1x129x129xf32> to vector<129x129xf32>
    %concatenate3A_194 = tpu.concatenate %squeeze3A_193, %broadcast_in_dim3A_189 in 1 : vector<129x129xf32>, vector<129x61xf32> -> vector<129x190xf32>
    %dot_general3A_195 = arith.constant dense<0.000000e+00> : vector<129x384xf32>
    %dot_general3A_196 = tpu.matmul %concatenate3A, %convert_element_type3A_159, %dot_general3A_195 {dimension_numbers = #tpu.dot_dimension_numbers<[1], [0], [0], [1], [0, 0, 1, 1], [], []>, transpose_lhs_hint = false} : vector<129x190xf32>, vector<190x384xf32>, vector<129x384xf32> -> vector<129x384xf32>
    %dot_general3A_197 = arith.constant dense<0.000000e+00> : vector<129x384xf32>
    %dot_general3A_198 = tpu.matmul %concatenate3A_194, %convert_element_type3A_188, %dot_general3A_197 {dimension_numbers = #tpu.dot_dimension_numbers<[1], [0], [0], [1], [0, 0, 1, 1], [], []>, transpose_lhs_hint = false} : vector<129x190xf32>, vector<190x384xf32>, vector<129x384xf32> -> vector<129x384xf32>
    %add3A_199 = arith.addf %dot_general3A_196, %dot_general3A_198 : vector<129x384xf32>
    %slice3A_200 = vector.extract_strided_slice %add3A_199 {offsets = [0, 0], sizes = [129, 128], strides = [1, 1]} : vector<129x384xf32> to vector<129x128xf32>
    %mul3A_201 = arith.constant 3 : i32
    %mul3A_202 = arith.muli %arg0, %mul3A_201 : i32
    %add3A_203 = arith.constant 0 : i32
    %add3A_204 = arith.addi %add3A_203, %mul3A_202 : i32
    %add3A_205 = arith.constant 0 : i32
    %add3A_206 = arith.addi %add3A_204, %add3A_205 : i32
    %mul3A_207 = arith.constant 129 : i32
    %mul3A_208 = arith.muli %add3A_206, %mul3A_207 : i32
    %swap3A = arith.index_cast %mul3A_208 : i32 to index
    %swap3A_209 = arith.constant 0 : index
    %swap3A_210 = vector.load %arg3[%swap3A, %swap3A_209] : memref<49923x128xf32, #tpu.memory_space<vmem>>, vector<129x128xf32>
    tpu.vector_store %arg3[%swap3A, %swap3A_209], %slice3A_200 {strides = array<i32>} : memref<49923x128xf32, #tpu.memory_space<vmem>>, vector<129x128xf32>,
    %slice3A_211 = vector.extract_strided_slice %add3A_199 {offsets = [0, 128], sizes = [129, 128], strides = [1, 1]} : vector<129x384xf32> to vector<129x128xf32>
    %mul3A_212 = arith.constant 3 : i32
    %mul3A_213 = arith.muli %arg0, %mul3A_212 : i32
    %add3A_214 = arith.constant 129 : i32
    %add3A_215 = arith.addi %add3A_214, %mul3A_213 : i32
    %add3A_216 = arith.constant 0 : i32
    %add3A_217 = arith.addi %add3A_215, %add3A_216 : i32
    %mul3A_218 = arith.constant 129 : i32
    %mul3A_219 = arith.muli %add3A_217, %mul3A_218 : i32
    %swap3A_220 = arith.index_cast %mul3A_219 : i32 to index
    %swap3A_221 = arith.constant 0 : index
    %swap3A_222 = vector.load %arg3[%swap3A_220, %swap3A_221] : memref<49923x128xf32, #tpu.memory_space<vmem>>, vector<129x128xf32>
    tpu.vector_store %arg3[%swap3A_220, %swap3A_221], %slice3A_211 {strides = array<i32>} : memref<49923x128xf32, #tpu.memory_space<vmem>>, vector<129x128xf32>,
    %slice3A_223 = vector.extract_strided_slice %add3A_199 {offsets = [0, 256], sizes = [129, 128], strides = [1, 1]} : vector<129x384xf32> to vector<129x128xf32>
    %mul3A_224 = arith.constant 3 : i32
    %mul3A_225 = arith.muli %arg0, %mul3A_224 : i32
    %add3A_226 = arith.constant 258 : i32
    %add3A_227 = arith.addi %add3A_226, %mul3A_225 : i32
    %add3A_228 = arith.constant 0 : i32
    %add3A_229 = arith.addi %add3A_227, %add3A_228 : i32
    %mul3A_230 = arith.constant 129 : i32
    %mul3A_231 = arith.muli %add3A_229, %mul3A_230 : i32
    %swap3A_232 = arith.index_cast %mul3A_231 : i32 to index
    %swap3A_233 = arith.constant 0 : index
    %swap3A_234 = vector.load %arg3[%swap3A_232, %swap3A_233] : memref<49923x128xf32, #tpu.memory_space<vmem>>, vector<129x128xf32>
    tpu.vector_store %arg3[%swap3A_232, %swap3A_233], %slice3A_223 {strides = array<i32>} : memref<49923x128xf32, #tpu.memory_space<vmem>>, vector<129x128xf32>,
    %slice3A_235 = vector.extract_strided_slice %stack3A_43 {offsets = [1, 0, 0], sizes = [1, 129, 129], strides = [1, 1, 1]} : vector<3x129x129xf32> to vector<1x129x129xf32>
    %squeeze3A_236 = vector.shape_cast %slice3A_235 : vector<1x129x129xf32> to vector<129x129xf32>
    %concatenate3A_237 = tpu.concatenate %squeeze3A_236, %broadcast_in_dim3A_189 in 1 : vector<129x129xf32>, vector<129x61xf32> -> vector<129x190xf32>
    %slice3A_238 = vector.extract_strided_slice %get3A_6 {offsets = [1, 0, 0], sizes = [1, 129, 129], strides = [1, 1, 1]} : vector<3x129x129xf32> to vector<1x129x129xf32>
    %squeeze3A_239 = vector.shape_cast %slice3A_238 : vector<1x129x129xf32> to vector<129x129xf32>
    %concatenate3A_240 = tpu.concatenate %squeeze3A_239, %broadcast_in_dim3A_189 in 1 : vector<129x129xf32>, vector<129x61xf32> -> vector<129x190xf32>
    %dot_general3A_241 = arith.constant dense<0.000000e+00> : vector<129x384xf32>
    %dot_general3A_242 = tpu.matmul %concatenate3A_237, %convert_element_type3A_159, %dot_general3A_241 {dimension_numbers = #tpu.dot_dimension_numbers<[1], [0], [0], [1], [0, 0, 1, 1], [], []>, transpose_lhs_hint = false} : vector<129x190xf32>, vector<190x384xf32>, vector<129x384xf32> -> vector<129x384xf32>
    %dot_general3A_243 = arith.constant dense<0.000000e+00> : vector<129x384xf32>
    %dot_general3A_244 = tpu.matmul %concatenate3A_240, %convert_element_type3A_188, %dot_general3A_243 {dimension_numbers = #tpu.dot_dimension_numbers<[1], [0], [0], [1], [0, 0, 1, 1], [], []>, transpose_lhs_hint = false} : vector<129x190xf32>, vector<190x384xf32>, vector<129x384xf32> -> vector<129x384xf32>
    %add3A_245 = arith.addf %dot_general3A_242, %dot_general3A_244 : vector<129x384xf32>
    %slice3A_246 = vector.extract_strided_slice %add3A_245 {offsets = [0, 0], sizes = [129, 128], strides = [1, 1]} : vector<129x384xf32> to vector<129x128xf32>
    %mul3A_247 = arith.constant 3 : i32
    %mul3A_248 = arith.muli %arg0, %mul3A_247 : i32
    %add3A_249 = arith.constant 0 : i32
    %add3A_250 = arith.addi %add3A_249, %mul3A_248 : i32
    %add3A_251 = arith.constant 1 : i32
    %add3A_252 = arith.addi %add3A_250, %add3A_251 : i32
    %mul3A_253 = arith.constant 129 : i32
    %mul3A_254 = arith.muli %add3A_252, %mul3A_253 : i32
    %swap3A_255 = arith.index_cast %mul3A_254 : i32 to index
    %swap3A_256 = arith.constant 0 : index
    %swap3A_257 = vector.load %arg3[%swap3A_255, %swap3A_256] : memref<49923x128xf32, #tpu.memory_space<vmem>>, vector<129x128xf32>
    tpu.vector_store %arg3[%swap3A_255, %swap3A_256], %slice3A_246 {strides = array<i32>} : memref<49923x128xf32, #tpu.memory_space<vmem>>, vector<129x128xf32>,
    %slice3A_258 = vector.extract_strided_slice %add3A_245 {offsets = [0, 128], sizes = [129, 128], strides = [1, 1]} : vector<129x384xf32> to vector<129x128xf32>
    %mul3A_259 = arith.constant 3 : i32
    %mul3A_260 = arith.muli %arg0, %mul3A_259 : i32
    %add3A_261 = arith.constant 129 : i32
    %add3A_262 = arith.addi %add3A_261, %mul3A_260 : i32
    %add3A_263 = arith.constant 1 : i32
    %add3A_264 = arith.addi %add3A_262, %add3A_263 : i32
    %mul3A_265 = arith.constant 129 : i32
    %mul3A_266 = arith.muli %add3A_264, %mul3A_265 : i32
    %swap3A_267 = arith.index_cast %mul3A_266 : i32 to index
    %swap3A_268 = arith.constant 0 : index
    %swap3A_269 = vector.load %arg3[%swap3A_267, %swap3A_268] : memref<49923x128xf32, #tpu.memory_space<vmem>>, vector<129x128xf32>
    tpu.vector_store %arg3[%swap3A_267, %swap3A_268], %slice3A_258 {strides = array<i32>} : memref<49923x128xf32, #tpu.memory_space<vmem>>, vector<129x128xf32>,
    %slice3A_270 = vector.extract_strided_slice %add3A_245 {offsets = [0, 256], sizes = [129, 128], strides = [1, 1]} : vector<129x384xf32> to vector<129x128xf32>
    %mul3A_271 = arith.constant 3 : i32
    %mul3A_272 = arith.muli %arg0, %mul3A_271 : i32
    %add3A_273 = arith.constant 258 : i32
    %add3A_274 = arith.addi %add3A_273, %mul3A_272 : i32
    %add3A_275 = arith.constant 1 : i32
    %add3A_276 = arith.addi %add3A_274, %add3A_275 : i32
    %mul3A_277 = arith.constant 129 : i32
    %mul3A_278 = arith.muli %add3A_276, %mul3A_277 : i32
    %swap3A_279 = arith.index_cast %mul3A_278 : i32 to index
    %swap3A_280 = arith.constant 0 : index
    %swap3A_281 = vector.load %arg3[%swap3A_279, %swap3A_280] : memref<49923x128xf32, #tpu.memory_space<vmem>>, vector<129x128xf32>
    tpu.vector_store %arg3[%swap3A_279, %swap3A_280], %slice3A_270 {strides = array<i32>} : memref<49923x128xf32, #tpu.memory_space<vmem>>, vector<129x128xf32>,
    %slice3A_282 = vector.extract_strided_slice %stack3A_43 {offsets = [2, 0, 0], sizes = [1, 129, 129], strides = [1, 1, 1]} : vector<3x129x129xf32> to vector<1x129x129xf32>
    %squeeze3A_283 = vector.shape_cast %slice3A_282 : vector<1x129x129xf32> to vector<129x129xf32>
    %concatenate3A_284 = tpu.concatenate %squeeze3A_283, %broadcast_in_dim3A_189 in 1 : vector<129x129xf32>, vector<129x61xf32> -> vector<129x190xf32>
    %slice3A_285 = vector.extract_strided_slice %get3A_6 {offsets = [2, 0, 0], sizes = [1, 129, 129], strides = [1, 1, 1]} : vector<3x129x129xf32> to vector<1x129x129xf32>
    %squeeze3A_286 = vector.shape_cast %slice3A_285 : vector<1x129x129xf32> to vector<129x129xf32>
    %concatenate3A_287 = tpu.concatenate %squeeze3A_286, %broadcast_in_dim3A_189 in 1 : vector<129x129xf32>, vector<129x61xf32> -> vector<129x190xf32>
    %dot_general3A_288 = arith.constant dense<0.000000e+00> : vector<129x384xf32>
    %dot_general3A_289 = tpu.matmul %concatenate3A_284, %convert_element_type3A_159, %dot_general3A_288 {dimension_numbers = #tpu.dot_dimension_numbers<[1], [0], [0], [1], [0, 0, 1, 1], [], []>, transpose_lhs_hint = false} : vector<129x190xf32>, vector<190x384xf32>, vector<129x384xf32> -> vector<129x384xf32>
    %dot_general3A_290 = arith.constant dense<0.000000e+00> : vector<129x384xf32>
    %dot_general3A_291 = tpu.matmul %concatenate3A_287, %convert_element_type3A_188, %dot_general3A_290 {dimension_numbers = #tpu.dot_dimension_numbers<[1], [0], [0], [1], [0, 0, 1, 1], [], []>, transpose_lhs_hint = false} : vector<129x190xf32>, vector<190x384xf32>, vector<129x384xf32> -> vector<129x384xf32>
    %add3A_292 = arith.addf %dot_general3A_289, %dot_general3A_291 : vector<129x384xf32>
    %slice3A_293 = vector.extract_strided_slice %add3A_292 {offsets = [0, 0], sizes = [129, 128], strides = [1, 1]} : vector<129x384xf32> to vector<129x128xf32>
    %mul3A_294 = arith.constant 3 : i32
    %mul3A_295 = arith.muli %arg0, %mul3A_294 : i32
    %add3A_296 = arith.constant 0 : i32
    %add3A_297 = arith.addi %add3A_296, %mul3A_295 : i32
    %add3A_298 = arith.constant 2 : i32
    %add3A_299 = arith.addi %add3A_297, %add3A_298 : i32
    %mul3A_300 = arith.constant 129 : i32
    %mul3A_301 = arith.muli %add3A_299, %mul3A_300 : i32
    %swap3A_302 = arith.index_cast %mul3A_301 : i32 to index
    %swap3A_303 = arith.constant 0 : index
    %swap3A_304 = vector.load %arg3[%swap3A_302, %swap3A_303] : memref<49923x128xf32, #tpu.memory_space<vmem>>, vector<129x128xf32>
    tpu.vector_store %arg3[%swap3A_302, %swap3A_303], %slice3A_293 {strides = array<i32>} : memref<49923x128xf32, #tpu.memory_space<vmem>>, vector<129x128xf32>,
    %slice3A_305 = vector.extract_strided_slice %add3A_292 {offsets = [0, 128], sizes = [129, 128], strides = [1, 1]} : vector<129x384xf32> to vector<129x128xf32>
    %mul3A_306 = arith.constant 3 : i32
    %mul3A_307 = arith.muli %arg0, %mul3A_306 : i32
    %add3A_308 = arith.constant 129 : i32
    %add3A_309 = arith.addi %add3A_308, %mul3A_307 : i32
    %add3A_310 = arith.constant 2 : i32
    %add3A_311 = arith.addi %add3A_309, %add3A_310 : i32
    %mul3A_312 = arith.constant 129 : i32
    %mul3A_313 = arith.muli %add3A_311, %mul3A_312 : i32
    %swap3A_314 = arith.index_cast %mul3A_313 : i32 to index
    %swap3A_315 = arith.constant 0 : index
    %swap3A_316 = vector.load %arg3[%swap3A_314, %swap3A_315] : memref<49923x128xf32, #tpu.memory_space<vmem>>, vector<129x128xf32>
    tpu.vector_store %arg3[%swap3A_314, %swap3A_315], %slice3A_305 {strides = array<i32>} : memref<49923x128xf32, #tpu.memory_space<vmem>>, vector<129x128xf32>,
    %slice3A_317 = vector.extract_strided_slice %add3A_292 {offsets = [0, 256], sizes = [129, 128], strides = [1, 1]} : vector<129x384xf32> to vector<129x128xf32>
    %mul3A_318 = arith.constant 3 : i32
    %mul3A_319 = arith.muli %arg0, %mul3A_318 : i32
    %add3A_320 = arith.constant 258 : i32
    %add3A_321 = arith.addi %add3A_320, %mul3A_319 : i32
    %add3A_322 = arith.constant 2 : i32
    %add3A_323 = arith.addi %add3A_321, %add3A_322 : i32
    %mul3A_324 = arith.constant 129 : i32
    %mul3A_325 = arith.muli %add3A_323, %mul3A_324 : i32
    %swap3A_326 = arith.index_cast %mul3A_325 : i32 to index
    %swap3A_327 = arith.constant 0 : index
    %swap3A_328 = vector.load %arg3[%swap3A_326, %swap3A_327] : memref<49923x128xf32, #tpu.memory_space<vmem>>, vector<129x128xf32>
    tpu.vector_store %arg3[%swap3A_326, %swap3A_327], %slice3A_317 {strides = array<i32>} : memref<49923x128xf32, #tpu.memory_space<vmem>>, vector<129x128xf32>,
    return
  }
  func.func @transform_0(%arg0: i32) -> (i32, i32, i32) {
    %c0_i32 = arith.constant 0 : i32
    %c0_i32_0 = arith.constant 0 : i32
    %c0_i32_1 = arith.constant 0 : i32
    return %arg0, %c0_i32, %c0_i32_0 : i32, i32, i32
  }
  func.func @transform_1(%arg0: i32) -> (i32, i32, i32) {
    %c0_i32 = arith.constant 0 : i32
    %c0_i32_0 = arith.constant 0 : i32
    %c0_i32_1 = arith.constant 0 : i32
    return %arg0, %c0_i32, %c0_i32_0 : i32, i32, i32
  }
  func.func @transform_2(%arg0: i32) -> (i32, i32) {
    %c0_i32 = arith.constant 0 : i32
    %c0_i32_0 = arith.constant 0 : i32
    %c0_i32_1 = arith.constant 0 : i32
    return %c0_i32, %c0_i32_0 : i32, i32
  }
}

module attributes {stable_mosaic.version = 14 : i64} {
  func.func @_render_body(%arg0: i32, %arg1: memref<2048x32xf32, #tpu.memory_space<vmem>>, %arg2: memref<2048x32xf32, #tpu.memory_space<vmem>>, %arg3: memref<2048x32xf32, #tpu.memory_space<vmem>>, %arg4: memref<1x1x2048xf32, #tpu.memory_space<vmem>>) attributes {dimension_semantics = [#tpu.dimension_semantics<arbitrary>], iteration_bounds = array<i64: 8>, scalar_prefetch = 0 : i64, scratch_operands = 0 : i64, tpu.core_type = #tpu.core_type<tc>, window_params = [{transform_indices = @transform_0, window_bounds = array<i64: 2048, 32>}, {transform_indices = @transform_1, window_bounds = array<i64: 2048, 32>}, {transform_indices = @transform_2, window_bounds = array<i64: 2048, 32>}, {transform_indices = @transform_3, window_bounds = array<i64: 1, 1, 2048>}]} {
    %get3A = arith.constant 0 : index
    %get3A_0 = arith.constant 0 : index
    %get3A_1 = vector.load %arg1[%get3A, %get3A_0] : memref<2048x32xf32, #tpu.memory_space<vmem>>, vector<2048x32xf32>
    %get3A_2 = arith.constant 0 : index
    %get3A_3 = arith.constant 0 : index
    %get3A_4 = vector.load %arg2[%get3A_2, %get3A_3] : memref<2048x32xf32, #tpu.memory_space<vmem>>, vector<2048x32xf32>
    %get3A_5 = arith.constant 0 : index
    %get3A_6 = arith.constant 0 : index
    %get3A_7 = vector.load %arg3[%get3A_5, %get3A_6] : memref<2048x32xf32, #tpu.memory_space<vmem>>, vector<2048x32xf32>
    %slice3A = vector.extract_strided_slice %get3A_7 {offsets = [0, 1], sizes = [2048, 31], strides = [1, 1]} : vector<2048x32xf32> to vector<2048x31xf32>
    %slice3A_8 = vector.extract_strided_slice %get3A_7 {offsets = [0, 0], sizes = [2048, 31], strides = [1, 1]} : vector<2048x32xf32> to vector<2048x31xf32>
    %sub3A = arith.subf %slice3A, %slice3A_8 : vector<2048x31xf32>
    %slice3A_9 = vector.extract_strided_slice %get3A_4 {offsets = [0, 0], sizes = [2048, 31], strides = [1, 1]} : vector<2048x32xf32> to vector<2048x31xf32>
    %mul3A = arith.mulf %sub3A, %slice3A_9 : vector<2048x31xf32>
    %iota3A = tpu.iota {dimensions = array<i32: 0>} : vector<31x31xi32>
    %iota3A_10 = tpu.iota {dimensions = array<i32: 1>} : vector<31x31xi32>
    %lt3A = arith.cmpi slt, %iota3A, %iota3A_10 : vector<31x31xi32>
    %convert_element_type3A = arith.extui %lt3A : vector<31x31xi1> to vector<31x31xi32>
    %convert_element_type3A_11 = arith.sitofp %convert_element_type3A : vector<31x31xi32> to vector<31x31xf32>
    %dot_general3A = arith.constant dense<0.000000e+00> : vector<2048x31xf32>
    %dot_general3A_12 = tpu.matmul %mul3A, %convert_element_type3A_11, %dot_general3A {dimension_numbers = #tpu.dot_dimension_numbers<[1], [0], [0], [1], [0, 0, 1, 1], [], []>, transpose_lhs_hint = false} : vector<2048x31xf32>, vector<31x31xf32>, vector<2048x31xf32> -> vector<2048x31xf32>
    %neg3A = arith.constant 0.000000e+00 : f32
    %neg3A_13 = vector.broadcast %neg3A : f32 to vector<2048x31xf32>
    %neg3A_14 = arith.subf %neg3A_13, %dot_general3A_12 : vector<2048x31xf32>
    %exp3A = math.exp %neg3A_14 : vector<2048x31xf32>
    %slice3A_15 = vector.extract_strided_slice %get3A_1 {offsets = [0, 0], sizes = [2048, 31], strides = [1, 1]} : vector<2048x32xf32> to vector<2048x31xf32>
    %neg3A_16 = arith.constant 0.000000e+00 : f32
    %neg3A_17 = vector.broadcast %neg3A_16 : f32 to vector<2048x31xf32>
    %neg3A_18 = arith.subf %neg3A_17, %slice3A_15 : vector<2048x31xf32>
    %exp3A_19 = math.exp %neg3A_18 : vector<2048x31xf32>
    %add3A = arith.constant 1.000000e+00 : f32
    %add3A_20 = vector.broadcast %add3A : f32 to vector<2048x31xf32>
    %add3A_21 = arith.addf %add3A_20, %exp3A_19 : vector<2048x31xf32>
    %div3A = arith.constant 1.000000e+00 : f32
    %div3A_22 = vector.broadcast %div3A : f32 to vector<2048x31xf32>
    %div3A_23 = arith.divf %div3A_22, %add3A_21 : vector<2048x31xf32>
    %neg3A_24 = arith.constant 0.000000e+00 : f32
    %neg3A_25 = vector.broadcast %neg3A_24 : f32 to vector<2048x31xf32>
    %neg3A_26 = arith.subf %neg3A_25, %mul3A : vector<2048x31xf32>
    %exp3A_27 = math.exp %neg3A_26 : vector<2048x31xf32>
    %sub3A_28 = arith.constant 1.000000e+00 : f32
    %sub3A_29 = vector.broadcast %sub3A_28 : f32 to vector<2048x31xf32>
    %sub3A_30 = arith.subf %sub3A_29, %exp3A_27 : vector<2048x31xf32>
    %mul3A_31 = arith.mulf %exp3A, %sub3A_30 : vector<2048x31xf32>
    %mul3A_32 = arith.mulf %mul3A_31, %div3A_23 : vector<2048x31xf32>
    %reduce_sum3A = arith.constant dense<0.000000e+00> : vector<2048xf32>
    %reduce_sum3A_33 = vector.multi_reduction <add>, %mul3A_32, %reduce_sum3A [1] : vector<2048x31xf32> to vector<2048xf32>
    %reshape3A = vector.shape_cast %reduce_sum3A_33 : vector<2048xf32> to vector<1x1x2048xf32>
    %swap3A = arith.constant 0 : index
    %swap3A_34 = arith.constant 0 : index
    %swap3A_35 = arith.constant 0 : index
    %swap3A_36 = vector.load %arg4[%swap3A, %swap3A_34, %swap3A_35] : memref<1x1x2048xf32, #tpu.memory_space<vmem>>, vector<1x1x2048xf32>
    tpu.vector_store %arg4[%swap3A, %swap3A_34, %swap3A_35], %reshape3A {strides = array<i32>} : memref<1x1x2048xf32, #tpu.memory_space<vmem>>, vector<1x1x2048xf32>,
    return
  }
  func.func @transform_0(%arg0: i32) -> (i32, i32) {
    %c0_i32 = arith.constant 0 : i32
    %c0_i32_0 = arith.constant 0 : i32
    return %arg0, %c0_i32 : i32, i32
  }
  func.func @transform_1(%arg0: i32) -> (i32, i32) {
    %c0_i32 = arith.constant 0 : i32
    %c0_i32_0 = arith.constant 0 : i32
    return %arg0, %c0_i32 : i32, i32
  }
  func.func @transform_2(%arg0: i32) -> (i32, i32) {
    %c0_i32 = arith.constant 0 : i32
    %c0_i32_0 = arith.constant 0 : i32
    return %arg0, %c0_i32 : i32, i32
  }
  func.func @transform_3(%arg0: i32) -> (i32, i32, i32) {
    %c0_i32 = arith.constant 0 : i32
    %c0_i32_0 = arith.constant 0 : i32
    %c0_i32_1 = arith.constant 0 : i32
    return %arg0, %c0_i32, %c0_i32_0 : i32, i32, i32
  }
}

</mosaic_0001>

<sc_bundles>
// kernel: kernel.5.cloned.1.call-start
scs
__scs_entry_jumppad:
0x0: {  	(pc) =	sbr.rel $0x88, $3  }
0x1: {  	(tag) =	ssettag $0x0;
	lr =	simm.s32 $0x1  }
0x2: {  	[smem:$0x3F9D] =	sst lr;
	_ =	strace $0xD0000000  }
0x3: {  	_ = 	snop  }
0x4: {  	_ = 	snop  }
0x5: {  	_ = 	snop  }
0x6: {  	_ = 	snop  }
0x7: {  	_ = 	snop  }
__scs_overlays_trampoline_lowered:
0x8: {  	[smem:$0x3FAC] =	sst s0  }
0x9: {  	[smem:$0x3FAD] =	sst s1  }
0xa: {  	[smem:$0x3FAE] =	sst s2  }
0xb: {  	[smem:$0x3FAF] =	sst s3  }
0xc: {  	[smem:$0x3FB0] =	sst s4  }
0xd: {  	[smem:$0x3FB1] =	sst s5  }
0xe: {  	[smem:$0x3FB2] =	sst s6  }
0xf: {  	[smem:$0x3FB3] =	sst s7  }
0x10: {  	[smem:$0x3FB4] =	sst s8  }
0x11: {  	[smem:$0x3FB5] =	sst s9;
	s0 =	simm.s32 @!p0 $0x0  }
0x12: {  	s1 =	sld [smem:$0x3F9B];
	s0 =	simm.s32 @p0 $0x1  }
0x13: {  	[smem:$0x3FB6] =	sst s0;
	s0 =	simm.s32 @!p1 $0x0  }
0x14: {  	s2 =	sld [smem:$0x3F9A];
	s0 =	simm.s32 @p1 $0x1  }
0x15: {  	[smem:$0x3FB7] =	sst s0;
	s0 =	simm.s32 @!p2 $0x0  }
0x16: {  	s3 =	sld [smem:$0x3FDB];
	s0 =	simm.s32 @p2 $0x1  }
0x17: {  	s4 =	simm.s32 $0x1BF5;
	[smem:$0x3FB9] =	sst s0  }
0x18: {  	s0 =	sld [smem:$0x3F9C];
	_ =	swait.ge [sflag:s4], $0x0  }
0x19: {  	s7 =	sld [smem:$0x3F9D]  }
0x1a: {  	s8 =	sadd.s32 $0xFFFFE003, lr  }
0x1b: {  	s9 =	sadd.s32 $0xFFFFFEF7, lr;
	s5 =	simm.s32 $0xFFFFFFFF;
	p2 =	slt.u32 s8, $0xFFFFF086  }
0x1c: {  	p1 =	slt.u32 s9, $0xF7A;
	s5 =	simm.s32 @!p2 $0x0  }
0x1d: {  	s5 =	simm.s32 @p1 $0x1;
	p0 =	seq.s32 s7, s2  }
0x1e: {  	s7 =	smul.u32 @!p0 $0xF7A, s2;
	p2 =	seq.s32 @!p0 s5, $0x0  }
0x1f: {  	s9 =	smul.u32 $0xF7A, s1;
	s8 =	simm.s32 @!p0 $0x1BF5;
	p2 =	por !p2, p0  }
0x20: {  	[sflag:s8] =	ssyncset.s32 @!p0 $0xFFFFF086;
	s6 =	sadd.s32 @!p0 s3, s7;
	s7 =	simm.s32 @!p0 $0x108  }
0x21: {  	s3 =	sadd.s32 s3, s9;
	s6 =	sadd.s32 @!p0 $0x88, s6;
	s7 =	simm.s32 @p2 $0x1082  }
0x22: {  	[simem:s7], [sflag:s8] =	dma.local @!p0 [hbm:s6], $0xF7A  }
0x23: {  	s9 =	sor.u32 $0xD0000000, s2;
	s6 =	simm.s32 $0x108;
	_ =	swait.ge @!p0 [sflag:s8], $0x0  }
0x24: {  	s3 =	sadd.s32 $0x88, s3;
	s6 =	simm.s32 @!p1 $0x1082;
	[sflag:s4] =	ssyncset.s32 $0xFFFFF086  }
0x25: {  	[simem:s6], [sflag:s4] =	dma.local [hbm:s3], $0xF7A  }
0x26: {  	[smem:$0x3F9D] =	sst s1;
	(tag) =	ssettag s2;
	_ =	strace s9  }
0x27: {  	s1 =	sld [smem:$0x3FAD]  }
0x28: {  	s2 =	sld [smem:$0x3FAE]  }
0x29: {  	s4 =	sld [smem:$0x3FB0]  }
0x2a: {  	p0 =	seq.s32 s5, $0x0;
	s5 =	sld [smem:$0x3FB1]  }
0x2b: {  	s6 =	sld [smem:$0x3FB2]  }
0x2c: {  	s7 =	sld [smem:$0x3FB3]  }
0x2d: {  	s3 =	simm.s32 $0x108;
	s8 =	sld [smem:$0x3FB4]  }
0x2e: {  	s3 =	simm.s32 @!p0 $0x1082;
	s9 =	sld [smem:$0x3FB5]  }
0x2f: {  	lr =	sadd.s32 s0, s3;
	s0 =	sld [smem:$0x3FAC]  }
0x30: {  	s3 =	sld [smem:$0x3FAF]  }
0x31: {  	[smem:$0x3FB8] =	sst s10  }
0x32: {  	s10 =	sld [smem:$0x3FB6];
	_ =	sdelay $0x3  }
0x33: {  	p0 =	seq.s32 s10, $0x1;
	s10 =	sld [smem:$0x3FB8];
	_ =	sdelay $0x3  }
0x34: {  	[smem:$0x3FB8] =	sst s10  }
0x35: {  	s10 =	sld [smem:$0x3FB7];
	_ =	sdelay $0x3  }
0x36: {  	p1 =	seq.s32 s10, $0x1;
	s10 =	sld [smem:$0x3FB8];
	_ =	sdelay $0x3  }
0x37: {  	[smem:$0x3FB8] =	sst s10  }
0x38: {  	s10 =	sld [smem:$0x3FB9]  }
0x39: {  	_ = 	snop;
	(pc) =	sbr.ind lr, $3  }
0x3a: {  	_ = 	snop  }
0x3b: {  	_ = 	snop  }
0x3c: {  	p2 =	seq.s32 s10, $0x1;
	s10 =	sld [smem:$0x3FB8]  }
0x3d: {  	_ =	shalt  }
0x3e: {  	_ =	shalt  }
0x3f: {  	_ =	shalt  }
0x40: {  	_ =	shalt  }
0x41: {  	_ =	shalt  }
0x42: {  	_ =	shalt  }
0x43: {  	_ =	shalt  }
0x44: {  	_ =	shalt  }
0x45: {  	_ =	shalt  }
0x46: {  	_ =	shalt  }
0x47: {  	_ =	shalt  }
0x48: {  	_ =	shalt  }
0x49: {  	_ =	shalt  }
0x4a: {  	_ =	shalt  }
0x4b: {  	_ =	shalt  }
0x4c: {  	_ =	shalt  }
0x4d: {  	_ =	shalt  }
0x4e: {  	_ =	shalt  }
0x4f: {  	_ =	shalt  }
0x50: {  	_ =	shalt  }
0x51: {  	_ =	shalt  }
0x52: {  	_ =	shalt  }
0x53: {  	_ =	shalt  }
0x54: {  	_ =	shalt  }
0x55: {  	_ =	shalt  }
0x56: {  	_ =	shalt  }
0x57: {  	_ =	shalt  }
0x58: {  	_ =	shalt  }
0x59: {  	_ =	shalt  }
0x5a: {  	_ =	shalt  }
0x5b: {  	_ =	shalt  }
0x5c: {  	_ =	shalt  }
0x5d: {  	_ =	shalt  }
0x5e: {  	_ =	shalt  }
0x5f: {  	_ =	shalt  }
0x60: {  	_ =	shalt  }
0x61: {  	_ =	shalt  }
0x62: {  	_ =	shalt  }
0x63: {  	_ =	shalt  }
0x64: {  	_ =	shalt  }
0x65: {  	_ =	shalt  }
0x66: {  	_ =	shalt  }
0x67: {  	_ =	shalt  }
0x68: {  	_ =	shalt  }
0x69: {  	_ =	shalt  }
0x6a: {  	_ =	shalt  }
0x6b: {  	_ =	shalt  }
0x6c: {  	_ =	shalt  }
0x6d: {  	_ =	shalt  }
0x6e: {  	_ =	shalt  }
0x6f: {  	_ =	shalt  }
0x70: {  	_ =	shalt  }
0x71: {  	_ =	shalt  }
0x72: {  	_ =	shalt  }
0x73: {  	_ =	shalt  }
0x74: {  	_ =	shalt  }
0x75: {  	_ =	shalt  }
0x76: {  	_ =	shalt  }
0x77: {  	_ =	shalt  }
0x78: {  	_ =	shalt  }
0x79: {  	_ =	shalt  }
0x7a: {  	_ =	shalt  }
0x7b: {  	_ =	shalt  }
0x7c: {  	_ =	shalt  }
0x7d: {  	_ =	shalt  }
0x7e: {  	_ =	shalt  }
0x7f: {  	_ =	shalt  }
0x80: {  	_ =	shalt  }
0x81: {  	_ =	shalt  }
0x82: {  	_ =	shalt  }
0x83: {  	_ =	shalt  }
0x84: {  	_ =	shalt  }
0x85: {  	_ =	shalt  }
0x86: {  	_ =	shalt  }
0x87: {  	_ =	shalt  }
.Lfunc_end0:
.L_simem_size_0:
called_computation_lowered:
.L_overlay_start_0:
0x88: {  	s2 =	sld [smem:$0x3FD9]  }
0x89: {  	s3 =	sld [smem:$0x3FFE];
	_ =	sdelay $0x1  }
0x8a: {  	s1 =	srdreg.scid  }
0x8b: {  	s0 =	sand.u32 $0x1, s1  }
0x8c: {  	s16 =	sshll.u32 s0, $0xA;
	s2 =	sadd.s32 s3, s2  }
0x8d: {  	s2 =	sadd.s32 s2, s16  }
0x8e: {  	[smem:$0x3FC4] =	sst s2  }
0x8f: {  	_ = 	snop  }
0x90: {  	(tm) =	ssettm $0x1  }
0x91: {  	s17 =	sld [smem:$0x3FFB];
	_ =	sdelay $0x3  }
0x92: {  	_ =	strace s17  }
0x93: {  	s2 =	sld [smem:$0x3FFC];
	_ =	sdelay $0x3  }
0x94: {  	_ =	strace s2  }
0x95: {  	s2 =	sld [smem:$0x3FFD];
	_ =	sdelay $0x3  }
0x96: {  	_ =	strace s2  }
0x97: {  	_ =	strace $0x8FFFFFFF  }
0x98: {  	s18 =	sld [smem:$0x3FDB];
	_ =	sdelay $0x1  }
0x99: {  	s19 =	simm.s32 $_scs_section_size  }
0x9a: {  	s4 =	simm.s32 $_size__tile_overlayer_lowered;
	s5 =	simm.s32 $_tile_overlayer_lowered  }
0x9b: {  	s22 =	simm.s32 $0x1BFF;
	s21 =	sshll.u32 s5, $0x1;
	s2 =	sadd.s32 s19, s18  }
0x9c: {  	s6 =	simm.s32 $0x0;
	s20 =	sshll.u32 s4, $0x1;
	s4 =	sadd.s32 s21, s2  }
0x9d: {  	[timem:s6], [sflag:s22] =	dma.local [hbm:s4], s20  }
0x9e: {  	_ =	swait.ge [sflag:s22], s20  }
0x9f: {  	s3 =	ssub.s32 $0x0, s20;
	[sflag:s22] =	ssyncset.done $0x0  }
0xa0: {  	[sflag:s22] =	ssyncadd.s32 s3;
	_ =	sdelay $0x1  }
0xa1: {  	s23 =	simm.s32 $0x1B8B  }
0xa2: {  	_ =	swait.ge [sflag:s23], $0x1  }
0xa3: {  	[sflag:s23] =	ssyncset.done $0x0  }
0xa4: {  	s25 =	simm.s32 $0x1B8E;
	s24 =	sld [smem:$0x3FFE];
	[sflag:s23] =	ssyncadd.s32 $0xFFFFFFFF  }
0xa5: {  	s26 =	simm.s32 $execute0_lowered;
	[smem:$0x3FD2] =	sst s25  }
0xa6: {  	s4 =	sshll.u32 s26, $0x1;
	_ =	strace $0x80000046;
	[dreg:$0x1] =	wrdreg $0xFFFFFFFF  }
0xa7: {  	s28 =	simm.s32 $_size_execute0_lowered;
	s2 =	sadd.s32 s2, s4;
	[dreg:$0x0] =	wrdreg $0x0  }
0xa8: {  	s4 =	sshll.u32 s28, $0x1;
	[dreg:$0x2] =	wrdreg s2  }
0xa9: {  	[dreg:$0x3] =	wrdreg s4  }
0xaa: {  	[dreg:$0x4] =	wrdreg $0xC0  }
0xab: {  	_ =	task [dreg:s6], $0x5FFFF  }
0xac: {  	[dreg:$0x1] =	wrdreg $0xFFFFFFFF  }
0xad: {  	[dreg:$0x0] =	wrdreg $0x60  }
0xae: {  	[dreg:$0x2] =	wrdreg s24  }
0xaf: {  	[dreg:$0x3] =	wrdreg $0x9  }
0xb0: {  	_ =	task.clear_ibuf [dreg:s6], $0x4FFFF;
	_ =	strace $0x90000046  }
0xb1: {  	s29 =	simm.s32 $0x9;
	_ =	strace $0x80000048  }
0xb2: {  	_ =	swait.ge [sflag:s29], $0x1  }
0xb3: {  	[sflag:s29] =	ssyncadd.s32 $0xFFFFFFFF  }
0xb4: {  	_ =	strace $0x90000048  }
0xb5: {  	_ =	sfence  }
0xb6: {  	s30 =	sld [smem:$0x0];
	_ =	sdelay $0x2  }
0xb7: {  	s31 =	sshll.u32 s1, $0xD;
	s1 =	sshrl.u32 s1, $0x2  }
0xb8: {  	s3 =	sand.u32 $0x4000, s31;
	s1 =	sadd.s32 s1, s30  }
0xb9: {  	s0 =	sor.u32 s3, s0;
	s1 =	sshll.u32 s1, $0x11  }
0xba: {  	s0 =	sor.u32 s1, s0  }
0xbb: {  	s0 =	sadd.s32 $0x8F2B, s0  }
0xbc: {  	[sflag:s0] =	ssyncadd.remote.s32 $0x1  }
0xbd: {  	_ =	sfence.sel $0xFFFF  }
0xbe: {  	[dreg:$0x0] =	wrdreg $0xFFFFFFFF;
	(pc) =	sbr.abs _section_cstart, $3  }
0xbf: {  	[dreg:$0x1] =	wrdreg $0xFFFFFFFF  }
0xc0: {  	_ =	task.clear_ibuf [dreg:s6], $0x2FFFF;
	_ =	strace $0x9FFFFFFF  }
0xc1: {  	(tm) =	ssettm $0x7FFFFFFF  }
tec
execute0_lowered:
.L_overlay_start_1:
0x0: {  	(tag) =	ssettag $0x1  }
0x1: {  	s6 =	rddreg [dreg:$0x0]  }
0x2: {  	s0 =	rddreg [dreg:$0x1];
	s1 =	simm.s32 $0x0  }
0x3: {  	s2 =	srdreg.scid;
	s11 =	simm.s32 $0x80;
	s12 =	simm.s32 $0x500  }
0x4: {  	s13 =	simm.s32 $0x4500;
	s14 =	simm.s32 $0x100;
	s15 =	simm.s32 $0x8500  }
0x5: {  	s16 =	simm.s32 $0x180;
	s17 =	simm.s32 $0xC500;
	s18 =	simm.s32 $0x2  }
0x6: {  	s19 =	simm.s32 $0x3;
	s20 =	simm.s32 $0x10500;
	s21 =	simm.s32 $0x4  }
0x7: {  	s22 =	simm.s32 $0x0;
	[smem:$0x7FF] =	sst s1;
	s3 =	sadd.s32 $0xD5A00, s6  }
0x8: {  	s4 =	sadd.s32 $0x7E200, s6;
	s7 =	sand.u32 $0x1, s2;
	s5 =	sadd.s32 $0xE200, s6  }
0x9: {  	v0 =	vlaneseq.u32;
	s2 =	stileid.u32;
	s6 =	sadd.s32 $0x418C00, s6;
	s8 =	ssub.s32 $0x2, s7  }
0xa: {  	v0 =	vmul.u32 $0x80, v0;
	s10 =	sshll.u32 s2, $0x8;
	s7 =	sshll.u32 s7, $0x7;
	s9 =	sshrl.u32 s8, $0x1  }
0xb: {  	_ =	strace $0x80000047;
	s7 =	sor.u32 s7, s10;
	s8 =	ssub.s32 s8, s9  }
0xc: {  	s10 =	simm.s32 $0x1;
	v1 =	vor.u32 $0xC000, v0;
	v2 =	vor.u32 $0x8000, v0;
	v3 =	vor.u32 $0x4000, v0;
	s9 =	simm.s32 $0x200;
	s8 =	smax.u32 s8, $0x1  }
.LBB2_1:
0xd: {  	s23 =	simm.s32 $0x0  }
.LBB2_2:
0xe: {  	s24 =	sadd.s32 s7, s23  }
0xf: {  	s25 =	sshll.u32 s24, $0x6  }
0x10: {  	s28 =	simm.s32 $0x0;
	s26 =	smul.u32 $0x60, s24;
	s25 =	sadd.s32 s4, s25  }
0x11: {  	[tilespmem:s28], [sflag:$0x1] =	stream.linear.gather [hbm4b:s25+s28], $0x200, $0x38;
	[tilespmem:$0x10600] =	vst v63  }
0x12: {  	s31 =	sadd.s32 s5, s26  }
0x13: {  	[tilespmem:s9], [sflag:$0x2] =	stream.linear.gather [hbm4b:s31+s28], $0x300, $0x38;
	[tilespmem:$0x10600] =	vst v63  }
0x14: {  	_ =	swait.ge [sflag:s10], $0x200  }
0x15: {  	[sflag:s10] =	ssyncset.done $0x0  }
0x16: {  	[sflag:s10] =	ssyncadd.s32 $0xFFFFFE00  }
0x17: {  	[tilespmem:s12], [sflag:$0x3] =	stream.indirect.gather [hbm4b:s3+s11], $0x80, s28, s11, $0xb8;
	[tilespmem:$0x10600] =	vst v63  }
0x18: {  	_ = 	snop  }
0x19: {  	[tilespmem:s13], [sflag:$0x3] =	stream.indirect.gather [hbm4b:s3+s11], $0x80, s11, s11, $0xb8;
	[tilespmem:$0x10600] =	vst v63  }
0x1a: {  	_ = 	snop  }
0x1b: {  	[tilespmem:s15], [sflag:$0x3] =	stream.indirect.gather [hbm4b:s3+s11], $0x80, s14, s11, $0xb8;
	[tilespmem:$0x10600] =	vst v63  }
0x1c: {  	_ = 	snop  }
0x1d: {  	[tilespmem:s17], [sflag:$0x3] =	stream.indirect.gather [hbm4b:s3+s11], $0x80, s16, s11, $0xb8;
	[tilespmem:$0x10600] =	vst v63  }
0x1e: {  	_ =	swait.ge [sflag:s18], $0x300  }
0x1f: {  	[sflag:s18] =	ssyncset.done $0x0  }
0x20: {  	[sflag:s18] =	ssyncadd.s32 $0xFFFFFD00  }
0x21: {  	_ =	swait.ge [sflag:s19], $0x4000  }
0x22: {  	[sflag:s19] =	ssyncset.done $0x0  }
0x23: {  	[sflag:s19] =	ssyncadd.s32 $0xFFFFC000  }
0x24: {  	_ =	swait.ge [sflag:s19], $0x4000  }
0x25: {  	[sflag:s19] =	ssyncset.done $0x0  }
0x26: {  	[sflag:s19] =	ssyncadd.s32 $0xFFFFC000  }
0x27: {  	_ =	swait.ge [sflag:s19], $0x4000  }
0x28: {  	[sflag:s19] =	ssyncset.done $0x0  }
0x29: {  	[sflag:s19] =	ssyncadd.s32 $0xFFFFC000  }
0x2a: {  	_ =	swait.ge [sflag:s19], $0x4000  }
0x2b: {  	[sflag:s19] =	ssyncset.done $0x0  }
0x2c: {  	s26 =	simm.s32 $0x380;
	[sflag:s19] =	ssyncadd.s32 $0xFFFFC000  }
0x2d: {  	v5 =	vld [tilespmem:s26+$0x100];
	_ =	sdelay $0x2  }
0x2e: {  	v4 =	vmov s28  }
0x2f: {  	v8 =	vshll.u32 v4, $0x7;
	v4 =	vld [tilespmem:s26+$0x0]  }
0x30: {  	s29 =	simm.s32 $0x10;
	v9 =	vor.u32 v0, v8;
	v7 =	vor.u32 v1, v8;
	v6 =	vld [tilespmem:s26+$0xFFFFFF00];
	v11 =	vtrunc.f32 v5  }
0x31: {  	s30 =	simm.s32 $0x380;
	v10 =	vor.u32 v3, v8;
	v8 =	vor.u32 v2, v8;
	s25 =	simm.s32 $0x10580;
	s28 =	simm.s32 $0x10580;
	v5 =	vld [tilespmem:s26+$0xFFFFFE80];
	v11 =	vcvt.f32.s32 v11  }
.LBB2_3:
0x32: {  	_ = 	snop  }
0x33: {  	p0 =	sne.s32 s29, $0x70;
	v12 =	vld [tilespmem:s26+$0x80];
	s30 =	sadd.s32 $0x10, s30;
	s28 =	sadd.s32 $0x10, s28;
	v11 =	vshll.u32 v11, $0x1  }
0x34: {  	s31 =	smov.u32 s29;
	s29 =	sadd.s32 $0x10, s29;
	v13 =	vand.u32 $0xFFFFFF80, v11;
	v14 =	vand.u32 $0x7E, v11;
	v15 =	vadd.s32 $0x2, v11  }
0x35: {  	v16 =	vadd.s32 v9, v13;
	v17 =	vadd.s32 v8, v13;
	v18 =	vadd.s32 v7, v13  }
0x36: {  	v19 =	vand.u32 $0xFFFFFF80, v15;
	v15 =	vand.u32 $0x7E, v15;
	v20 =	vor.u32 v14, v17  }
0x37: {  	v21 =	vor.u32 $0x1, v14;
	v13 =	vadd.s32 v10, v13;
	v22 =	vor.u32 v14, v18  }
0x38: {  	v23 =	vor.u32 v14, v13;
	v24 =	vadd.s32 v10, v19;
	v13 =	vor.u32 v21, v13  }
0x39: {  	v14 =	vor.u32 v14, v16;
	v25 =	vadd.s32 v9, v19;
	v16 =	vor.u32 v21, v16  }
0x3a: {  	v11 =	vadd.s32 $0x3, v11;
	v26 =	vadd.s32 v7, v19;
	v24 =	vor.u32 v15, v24  }
0x3b: {  	v27 =	vand.u32 $0xFFFFFF80, v11;
	v11 =	vand.u32 $0x7F, v11;
	v25 =	vor.u32 v15, v25  }
0x3c: {  	v10 =	vadd.s32 v10, v27;
	v28 =	vadd.s32 v8, v27;
	v26 =	vor.u32 v15, v26;
	v20 =	vld.idx.msk [tilespmem:v20+s12+$0x0], $0xffff  }
0x3d: {  	v9 =	vadd.s32 v9, v27;
	v10 =	vor.u32 v11, v10;
	v28 =	vor.u32 v11, v28;
	v23 =	vld.idx.msk [tilespmem:v23+s12+$0x0], $0xffff  }
0x3e: {  	v17 =	vor.u32 v21, v17;
	v7 =	vadd.s32 v7, v27;
	v9 =	vor.u32 v11, v9;
	v14 =	vld.idx.msk [tilespmem:v14+s12+$0x0], $0xffff  }
0x3f: {  	v8 =	vadd.s32 v8, v19;
	v18 =	vor.u32 v21, v18;
	v7 =	vor.u32 v11, v7;
	v24 =	vld.idx.msk [tilespmem:v24+s12+$0x0], $0xffff  }
0x40: {  	v8 =	vor.u32 v15, v8;
	v11 =	vld.idx.msk [tilespmem:v13+s12+$0x0], $0xffff  }
0x41: {  	v13 =	vld.idx.msk [tilespmem:v26+s12+$0x0], $0xffff  }
0x42: {  	v15 =	vld.idx.msk [tilespmem:v22+s12+$0x0], $0xffff  }
0x43: {  	v10 =	vld.idx.msk [tilespmem:v10+s12+$0x0], $0xffff  }
0x44: {  	v18 =	vld.idx.msk [tilespmem:v18+s12+$0x0], $0xffff  }
0x45: {  	v21 =	vsub.f32 v24, v23;
	v19 =	vld.idx.msk [tilespmem:v25+s12+$0x0], $0xffff  }
0x46: {  	v16 =	vld.idx.msk [tilespmem:v16+s12+$0x0], $0xffff  }
0x47: {  	v21 =	vmul.f32 v21, v12;
	v9 =	vld.idx.msk [tilespmem:v9+s12+$0x0], $0xffff  }
0x48: {  	v13 =	vsub.f32 v13, v15;
	v17 =	vld.idx.msk [tilespmem:v17+s12+$0x0], $0xffff  }
0x49: {  	v21 =	vadd.f32 v21, v23;
	v22 =	vld.idx.msk [tilespmem:v28+s12+$0x0], $0xffff  }
0x4a: {  	v10 =	vsub.f32 v10, v11;
	v13 =	vmul.f32 v13, v12;
	v8 =	vld.idx.msk [tilespmem:v8+s12+$0x0], $0xffff  }
0x4b: {  	v19 =	vsub.f32 v19, v14;
	v21 =	vmul.f32 v21, v6;
	v7 =	vld.idx.msk [tilespmem:v7+s12+$0x0], $0xffff  }
0x4c: {  	v10 =	vmul.f32 v10, v12;
	v13 =	vadd.f32 v13, v15  }
0x4d: {  	v15 =	vmul.f32 v19, v12;
	v9 =	vsub.f32 v9, v16  }
0x4e: {  	v10 =	vadd.f32 v10, v11;
	v11 =	vmul.f32 v13, v4  }
0x4f: {  	v13 =	vadd.f32 v15, v14;
	v9 =	vmul.f32 v9, v12;
	v14 =	vsub.f32 v22, v17  }
0x50: {  	v6 =	vmul.f32 v10, v6;
	v8 =	vsub.f32 v8, v20  }
0x51: {  	v9 =	vadd.f32 v9, v16;
	v14 =	vmul.f32 v14, v12;
	v7 =	vsub.f32 v7, v18;
	v10 =	vld [tilespmem:s26+$0xFFFFFF80];
	s26 =	smov.u32 s30  }
0x52: {  	v13 =	vmul.f32 v13, v5;
	v8 =	vmul.f32 v8, v12  }
0x53: {  	v5 =	vmul.f32 v9, v5;
	v9 =	vadd.f32 v14, v17;
	v7 =	vmul.f32 v7, v12  }
0x54: {  	v12 =	vadd.f32 $0.0e+00, v13;
	v8 =	vadd.f32 v8, v20  }
0x55: {  	v5 =	vadd.f32 $0.0e+00, v5;
	v7 =	vadd.f32 v7, v18  }
0x56: {  	v12 =	vadd.f32 v21, v12;
	v8 =	vmul.f32 v8, v10  }
0x57: {  	v5 =	vadd.f32 v6, v5;
	v6 =	vmul.f32 v9, v10;
	v4 =	vmul.f32 v7, v4  }
0x58: {  	v7 =	vadd.f32 v8, v12  }
0x59: {  	v8 =	vmov s31;
	v5 =	vadd.f32 v6, v5  }
0x5a: {  	v6 =	vshll.u32 v8, $0x7;
	v8 =	vadd.f32 v11, v7  }
0x5b: {  	v9 =	vor.u32 v0, v6;
	v7 =	vor.u32 v1, v6;
	v4 =	vadd.f32 v4, v5  }
0x5c: {  	v10 =	vor.u32 v3, v6;
	[tilespmem:s25+$0xFFFFFF80] =	vst v8  }
0x5d: {  	[tilespmem:s25+$0x0] =	vst v4;
	s25 =	smov.u32 s28  }
0x5e: {  	v11 =	vld [tilespmem:s30+$0x100];
	_ =	sdelay $0x1  }
.Ltmp0:
0x5f: {  	v8 =	vor.u32 v2, v6;
	v4 =	vld [tilespmem:s30+$0x0];
	(pc) =	sbr.rel @p0 .LBB2_3-.Ltmp0, $4  }
0x60: {  	v6 =	vld [tilespmem:s30+$0xFFFFFF00]  }
0x61: {  	v5 =	vld [tilespmem:s30+$0xFFFFFE80]  }
0x62: {  	v11 =	vtrunc.f32 v11  }
0x63: {  	v11 =	vcvt.f32.s32 v11  }
0x64: {  	_ = 	snop  }
0x65: {  	v11 =	vshll.u32 v11, $0x1  }
0x66: {  	v12 =	vand.u32 $0xFFFFFF80, v11  }
0x67: {  	v13 =	vand.u32 $0x7E, v11;
	v14 =	vadd.s32 v8, v12  }
0x68: {  	v17 =	vadd.s32 v10, v12;
	v16 =	vor.u32 v13, v14  }
0x69: {  	v18 =	vadd.s32 v9, v12;
	v20 =	vor.u32 v13, v17  }
0x6a: {  	v23 =	vor.u32 $0x1, v13;
	v22 =	vor.u32 v13, v18  }
0x6b: {  	v12 =	vadd.s32 v7, v12;
	v17 =	vor.u32 v23, v17  }
0x6c: {  	v24 =	vld [tilespmem:s26+$0x80];
	v13 =	vor.u32 v13, v12  }
0x6d: {  	v15 =	vadd.s32 $0x2, v11;
	v18 =	vor.u32 v23, v18;
	v16 =	vld.idx.msk [tilespmem:v16+s12+$0x0], $0xffff  }
0x6e: {  	v19 =	vand.u32 $0xFFFFFF80, v15;
	v14 =	vor.u32 v23, v14;
	v20 =	vld.idx.msk [tilespmem:v20+s12+$0x0], $0xffff  }
0x6f: {  	v15 =	vand.u32 $0x7E, v15;
	v21 =	vadd.s32 v10, v19;
	v12 =	vor.u32 v23, v12;
	v22 =	vld.idx.msk [tilespmem:v22+s12+$0x0], $0xffff  }
0x70: {  	v11 =	vadd.s32 $0x3, v11;
	v25 =	vadd.s32 v7, v19;
	v21 =	vor.u32 v15, v21;
	v17 =	vld.idx.msk [tilespmem:v17+s12+$0x0], $0xffff  }
0x71: {  	v27 =	vand.u32 $0xFFFFFF80, v11;
	v26 =	vadd.s32 v9, v19;
	v25 =	vor.u32 v15, v25;
	v13 =	vld.idx.msk [tilespmem:v13+s12+$0x0], $0xffff  }
0x72: {  	v11 =	vand.u32 $0x7F, v11;
	v46 =	vadd.s32 v9, v27;
	v26 =	vor.u32 v15, v26;
	v18 =	vld.idx.msk [tilespmem:v18+s12+$0x0], $0xffff  }
0x73: {  	v47 =	vadd.s32 v10, v27;
	v9 =	vor.u32 v11, v46;
	v51 =	vld.idx.msk [tilespmem:v14+s12+$0x0], $0xffff  }
0x74: {  	v19 =	vadd.s32 v8, v19;
	v10 =	vor.u32 v11, v47;
	v12 =	vld.idx.msk [tilespmem:v12+s12+$0x0], $0xffff  }
0x75: {  	v48 =	vadd.s32 v8, v27;
	v15 =	vor.u32 v15, v19;
	v21 =	vld.idx.msk [tilespmem:v21+s12+$0x0], $0xffff  }
0x76: {  	v50 =	vadd.s32 v7, v27;
	v8 =	vor.u32 v11, v48;
	v25 =	vld.idx.msk [tilespmem:v25+s12+$0x0], $0xffff  }
0x77: {  	v7 =	vor.u32 v11, v50;
	v49 =	vld.idx.msk [tilespmem:v26+s12+$0x0], $0xffff  }
0x78: {  	v9 =	vld.idx.msk [tilespmem:v9+s12+$0x0], $0xffff  }
0x79: {  	v10 =	vld.idx.msk [tilespmem:v10+s12+$0x0], $0xffff  }
0x7a: {  	v15 =	vld.idx.msk [tilespmem:v15+s12+$0x0], $0xffff  }
0x7b: {  	v8 =	vld.idx.msk [tilespmem:v8+s12+$0x0], $0xffff  }
0x7c: {  	v7 =	vld.idx.msk [tilespmem:v7+s12+$0x0], $0xffff;
	_ =	sdelay $0x1  }
0x7d: {  	v52 =	vsub.f32 v21, v20;
	v19 =	vsub.f32 v49, v22  }
0x7e: {  	v53 =	vsub.f32 v25, v13;
	v9 =	vsub.f32 v9, v18  }
0x7f: {  	v10 =	vsub.f32 v10, v17;
	v15 =	vsub.f32 v15, v16;
	v19 =	vmul.f32 v19, v24  }
0x80: {  	v8 =	vsub.f32 v8, v51;
	v7 =	vsub.f32 v7, v12;
	v9 =	vmul.f32 v9, v24  }
0x81: {  	v14 =	vmul.f32 v52, v24;
	v54 =	vmul.f32 v53, v24;
	v19 =	vadd.f32 v19, v22  }
0x82: {  	v55 =	vld [tilespmem:s26+$0xFFFFFF80];
	v10 =	vmul.f32 v10, v24;
	v15 =	vmul.f32 v15, v24;
	v9 =	vadd.f32 v9, v18  }
0x83: {  	v8 =	vmul.f32 v8, v24;
	v14 =	vadd.f32 v14, v20;
	v56 =	vmul.f32 v19, v5  }
0x84: {  	v7 =	vmul.f32 v7, v24;
	v10 =	vadd.f32 v10, v17;
	v5 =	vmul.f32 v9, v5  }
0x85: {  	v59 =	vadd.f32 v15, v16;
	v14 =	vmul.f32 v14, v6;
	v58 =	vadd.f32 $0.0e+00, v56  }
0x86: {  	v8 =	vadd.f32 v8, v51;
	v57 =	vmul.f32 v10, v6;
	v5 =	vadd.f32 $0.0e+00, v5  }
0x87: {  	v60 =	vadd.f32 v54, v13;
	v10 =	vmul.f32 v59, v55;
	v9 =	vadd.f32 v14, v58  }
0x88: {  	v7 =	vadd.f32 v7, v12;
	v61 =	vmul.f32 v8, v55;
	v5 =	vadd.f32 v57, v5  }
0x89: {  	v62 =	vmul.f32 v60, v4;
	v9 =	vadd.f32 v10, v9  }
0x8a: {  	v4 =	vmul.f32 v7, v4;
	v5 =	vadd.f32 v61, v5  }
0x8b: {  	v63 =	vadd.f32 v62, v9  }
0x8c: {  	s23 =	sadd.s32 $0x1, s23;
	v4 =	vadd.f32 v4, v5  }
0x8d: {  	s24 =	sshll.u32 s24, $0x5;
	p0 =	sne.s32 s23, $0x80;
	[tilespmem:s25+$0xFFFFFF80] =	vst v63  }
.Ltmp1:
0x8e: {  	s24 =	sadd.s32 s6, s24;
	[tilespmem:s25+$0x0] =	vst v4;
	(pc) =	sbr.rel @p0 .LBB2_2-.Ltmp1, $4  }
0x8f: {  	[hbm4b:s24+s1] =	stream.linear.scatter [tilespmem:s20], [sflag:$0x4], $0x100, $0x38;
	[tilespmem:$0x10600] =	vst v63  }
0x90: {  	_ =	swait.ge [sflag:s21], $0x100  }
0x91: {  	[sflag:s21] =	ssyncset.done $0x0  }
0x92: {  	[sflag:s21] =	ssyncadd.s32 $0xFFFFFF00  }
0x93: {  	s22 =	sadd.s32 $0x1, s22  }
0x94: {  	p0 =	sne.s32 s22, s8  }
.Ltmp2:
0x95: {  	_ = 	snop;
	(pc) =	sbr.rel @p0 .LBB2_1-.Ltmp2, $1  }
0x96: {  	_ =	sdelay $0x3  }
0x97: {  	_ =	sfence.sel $0x180000  }
0x98: {  	[bflag:$0x0] =	sbarrier.arrive $0xFFFF  }
0x99: {  	p0 =	sne.s32 s2, $0x0;
	_ =	strace $0x90000047  }
0x9a: {  	s0 =	sadd.s32 @!p0 $0x100000, s0;
	[bflag:$0x2] =	sbarrier.arrive $0xFFFF  }
0x9b: {  	[sflag:s0] =	ssyncadd.tile.s32 @!p0 $0x1;
	_ =	shalt  }
.Lfunc_end2:
_tile_overlayer_lowered:
.L_overlay_start_2:
0x9c: {  	(tag) =	ssettag $0x2  }
0x9d: {  	s0 =	rddreg [dreg:$0x0];
	s2 =	stileid.u32  }
0x9e: {  	s1 =	rddreg [dreg:$0x1];
	p0 =	sne.s32 s2, $0x0  }
0x9f: {  	s3 =	rddreg [dreg:$0x2];
	[bflag:$0x3] =	sbarrier.arrive $0xFFFF;
	s2 =	simm.s32 @!p0 $0x1C04  }
0xa0: {  	[timem:s3], [sflag:s2] =	dma.local @!p0 [hbm:s0], s1  }
0xa1: {  	s0 =	simm.s32 @!p0 $0x4  }
0xa2: {  	_ =	swait.ge @!p0 [sflag:s0], s1  }
0xa3: {  	s1 =	ssub.s32 @!p0 $0x0, s1;
	[sflag:s0] =	ssyncset.done @!p0 $0x0  }
0xa4: {  	[sflag:s0] =	ssyncadd.s32 @!p0 s1  }
0xa5: {  	[bflag:$0x3] =	sbarrier.arrive $0xFFFF  }
0xa6: {  	_ =	shalt  }

</sc_bundles>
